<compile_context>
chip_gen: v7x
topology: tpu7x:2x2x1
jax: 0.10.2.dev20260603
libtpu: 0.0.44.dev20260713+nightly
codegen_flags: <defaults>
</compile_context>

<pallas_src>
import functools
import math

import jax
import jax.numpy as jnp
from jax import lax
from jax.experimental import pallas as pl
from jax.experimental.pallas import tpu as pltpu
from jax.experimental.pallas import tpu_sc as plsc

_NC = 2
_NS = 16
_NB = 4

_W1 = float(1.0 / (1.0 + math.exp(-0.5)))


def _sc_segment_sum(feat_path, ids, n_nodes):
    E, D = feat_path.shape
    NW = _NC * _NS
    rt = E // NW
    C = 80
    n_chunks = rt // C
    assert rt % C == 0 and C % 8 == 0 and n_chunks % _NB == 1 and n_chunks >= 9
    zr = (n_nodes // _NS) // 8 * 8
    zl = n_nodes - zr * (_NS - 1)

    ids3d = ids.reshape(E // C, 1, C)
    mesh = plsc.VectorSubcoreMesh(core_axis_name="c", subcore_axis_name="s")

    @functools.partial(
        pl.kernel,
        mesh=mesh,
        out_type=jax.ShapeDtypeStruct((_NC, n_nodes, D), jnp.float32),
        scratch_types=[
            pltpu.VMEM((_NB, C, D), jnp.float32),
            pltpu.VMEM((_NB, 1, C), jnp.int32),
            pltpu.VMEM_SHARED((n_nodes, D), jnp.float32),
            [pltpu.SemaphoreType.DMA] * _NB,
            [pltpu.SemaphoreType.DMA] * _NB,
        ],
    )
    def seg_sum(rows_hbm, ids_hbm, zeros_hbm, out_hbm, rows_v, ids_v, acc,
                sem_in, sem_sc):
        cid = lax.axis_index("c")
        sid = lax.axis_index("s")
        wid = cid * _NS + sid
        base = wid * rt

        def start_in(g, b):
            pltpu.async_copy(
                rows_hbm.at[pl.ds(base + g * C, C)], rows_v.at[b], sem_in[b])
            pltpu.async_copy(ids_hbm.at[wid * n_chunks + g], ids_v.at[b], sem_in[b])

        def wait_in(b):
            pltpu.make_async_copy(
                rows_hbm.at[pl.ds(0, C)], rows_v.at[b], sem_in[b]).wait()
            pltpu.make_async_copy(ids_hbm.at[0], ids_v.at[b], sem_in[b]).wait()

        def start_sc(b):
            pltpu.async_copy(
                rows_v.at[b], acc.at[ids_v.at[b, 0]], sem_sc[b], add=True)

        def wait_sc(b):
            pltpu.make_async_copy(
                rows_v.at[b], acc.at[ids_v.at[b, 0]], sem_sc[b]).wait()

        start_in(0, 0)
        start_in(1, 1)

        @pl.when(sid < _NS - 1)
        def _():
            pltpu.sync_copy(zeros_hbm.at[pl.ds(0, zr)], acc.at[pl.ds(sid * zr, zr)])

        @pl.when(sid == _NS - 1)
        def _():
            pltpu.sync_copy(zeros_hbm.at[pl.ds(0, zl)],
                            acc.at[pl.ds((_NS - 1) * zr, zl)])

        plsc.subcore_barrier()

        wait_in(0); start_sc(0); start_in(2, 2)
        wait_in(1); start_sc(1); start_in(3, 3)
        wait_in(2); start_sc(2); wait_sc(0); start_in(4, 0)
        wait_in(3); start_sc(3); wait_sc(1); start_in(5, 1)

        def body(k, carry):
            g = k * _NB
            wait_in(0); start_sc(0); wait_sc(2); start_in(g + 2, 2)
            wait_in(1); start_sc(1); wait_sc(3); start_in(g + 3, 3)
            wait_in(2); start_sc(2); wait_sc(0); start_in(g + 4, 0)
            wait_in(3); start_sc(3); wait_sc(1); start_in(g + 5, 1)
            return carry

        lax.fori_loop(1, (n_chunks - 1) // _NB - 1, body, 0)

        g = n_chunks - 5
        wait_in(0); start_sc(0); wait_sc(2); start_in(g + 2, 2)
        wait_in(1); start_sc(1); wait_sc(3); start_in(g + 3, 3)
        wait_in(2); start_sc(2); wait_sc(0); start_in(g + 4, 0)
        wait_in(3); start_sc(3); wait_sc(1)
        wait_in(0); start_sc(0); wait_sc(2)
        wait_sc(3); wait_sc(0)

        plsc.subcore_barrier()

        @pl.when(sid < _NS - 1)
        def _():
            pltpu.sync_copy(
                acc.at[pl.ds(sid * zr, zr)], out_hbm.at[cid, pl.ds(sid * zr, zr)])

        @pl.when(sid == _NS - 1)
        def _():
            pltpu.sync_copy(
                acc.at[pl.ds((_NS - 1) * zr, zl)],
                out_hbm.at[cid, pl.ds((_NS - 1) * zr, zl)])

    zeros = jnp.zeros((zl, D), jnp.float32)
    return seg_sum(feat_path, ids3d, zeros)


def _tc_dense(partials, feat_center, W_type, W_enc, W_dec, W_cls, b_cls):
    N, D = feat_center.shape
    P = W_type.shape[1]
    S = W_cls.shape[1]
    BN = 2000
    assert N % BN == 0

    def body(p_ref, fc_ref, wt_ref, we_ref, wd_ref, wc_ref, bc_ref, out1_ref, out2_ref):
        wcomb = jnp.dot(we_ref[...], wd_ref[...], preferred_element_type=jnp.float32)
        seg = p_ref[0] + p_ref[1]
        inj = jnp.dot(seg, wcomb, preferred_element_type=jnp.float32) * _W1
        center = jnp.dot(fc_ref[...], wt_ref[...], preferred_element_type=jnp.float32)
        logits = jnp.dot(center + inj, wc_ref[...],
                         preferred_element_type=jnp.float32) + bc_ref[...]
        m = jnp.max(logits, axis=1, keepdims=True)
        lse = jnp.log(jnp.sum(jnp.exp(logits - m), axis=1, keepdims=True)) + m
        out1_ref[...] = logits - lse
        out2_ref[...] = inj

    return pl.pallas_call(
        body,
        grid=(N // BN,),
        in_specs=[
            pl.BlockSpec((2, BN, D), lambda i: (0, i, 0)),
            pl.BlockSpec((BN, D), lambda i: (i, 0)),
            pl.BlockSpec((D, P), lambda i: (0, 0)),
            pl.BlockSpec((D, P), lambda i: (0, 0)),
            pl.BlockSpec((P, P), lambda i: (0, 0)),
            pl.BlockSpec((P, S), lambda i: (0, 0)),
            pl.BlockSpec((1, S), lambda i: (0, 0)),
        ],
        out_specs=[
            pl.BlockSpec((BN, S), lambda i: (i, 0)),
            pl.BlockSpec((BN, P), lambda i: (i, 0)),
        ],
        out_shape=[
            jax.ShapeDtypeStruct((N, S), jnp.float32),
            jax.ShapeDtypeStruct((N, P), jnp.float32),
        ],
    )(partials, feat_center, W_type, W_enc, W_dec, W_cls, b_cls.reshape(1, S))


def kernel(feat_center, feat_path, segment_ids, W_type, W_enc, W_dec, W_cls, b_cls):
    N = feat_center.shape[0]
    ids = segment_ids.astype(jnp.int32)
    partials = _sc_segment_sum(feat_path, ids, N)
    pre_embed, inj_scaled = _tc_dense(
        partials, feat_center, W_type, W_enc, W_dec, W_cls, b_cls)
    return (pre_embed, inj_scaled)

# --- scband reference (transcript-rebuilt; emitter-appended) ---
"""Pipeline reference for scband-graph-ham-50148038148194 (READ-ONLY COPY).

The authoritative reference and input builder live on the scoring server;
editing this copy changes nothing except your own understanding.
"""

import jax, jax.numpy as jnp
import numpy as np

N = 10000   # number of center nodes of type 'A'
E = 320000  # total metapath instances for metapath 'AB' (sum of rows_dict)
D = 128     # input_dim
P = 128     # pre_embed_dim
S = 64      # select_dim (classify output)


def setup_inputs(seed: int = 0) -> dict:
    key = jax.random.key(seed)
    ks = jax.random.split(key, 8)
    feat_center = jax.random.normal(ks[0], (N, D), dtype=jnp.float32)
    feat_path = jax.random.normal(ks[1], (E, D), dtype=jnp.float32)
    # rows_dict (per-node instance counts) is equivalent to sorted segment ids
    segment_ids = jnp.sort(jax.random.randint(ks[2], (E,), 0, N))
    # learned parameters
    W_type = jax.random.normal(ks[3], (D, P), dtype=jnp.float32) * (1.0 / np.sqrt(D))   # type_weight['A']
    W_enc = jax.random.normal(ks[4], (D, P), dtype=jnp.float32) * (1.0 / np.sqrt(D))    # NCModel.encode, feat_dim=(len('AB')-1)*D
    W_dec = jax.random.normal(ks[5], (P, P), dtype=jnp.float32) * (1.0 / np.sqrt(P))    # NCModel.decode -> pre_embed_dim
    W_cls = jax.random.normal(ks[6], (P, S), dtype=jnp.float32) * (1.0 / np.sqrt(P))    # classify_layer
    b_cls = jnp.zeros((S,), dtype=jnp.float32)
    return {"feat_center": feat_center, "feat_path": feat_path, "segment_ids": segment_ids,
            "W_type": W_type, "W_enc": W_enc, "W_dec": W_dec, "W_cls": W_cls, "b_cls": b_cls}


def reference(feat_center, feat_path, segment_ids, W_type, W_enc, W_dec, W_cls, b_cls):
    # metapath 'A' (length 1): center node projection
    center = feat_center @ W_type                                # [N, P]
    # metapath 'AB': NCModel encode/decode modeled as linear encode + linear decode
    h = feat_path @ W_enc                                        # [E, P]
    injective_mapping = h @ W_dec                                # [E, P]
    # split per node by rows_dict then sum-aggregate == segment_sum over sorted segment ids
    # (nodes with zero rows get zero rows automatically)
    agg = jax.ops.segment_sum(injective_mapping, segment_ids, num_segments=N)  # [N, P]
    # start_select=False: weight entries = original_weight/len(weight) for metapaths in injective;
    # index 0 ('A') is never written (torch.empty) -> modeled as 0; then softmax
    w = jnp.zeros((2,), dtype=jnp.float32).at[1].set(1.0 / 2.0)
    w = jax.nn.softmax(w, axis=0)
    inj_scaled = agg * w[1]                                      # in-place *= in torch; also seen by GAN_input
    # stack over single metapath then mean(dim=2) -> identity
    embed = inj_scaled
    logits = (center + embed) @ W_cls + b_cls
    pre_embed = jax.nn.log_softmax(logits, axis=1)               # [N, S]
    return (pre_embed, inj_scaled)

if __name__ == "__main__":
    import jax
    _d = setup_inputs()
    print(jax.jit(kernel)(*tuple(_d.values())))

</pallas_src>

<mosaic_0001>
#map = affine_map<(d0, d1) -> (0, 0)>
#map1 = affine_map<(d0, d1) -> (0, 0, 0)>
module attributes {stable_mosaic.version = 14 : i64} {
  func.func @seg_sum(%arg0: i32, %arg1: i32, %arg2: memref<320000x128xf32, #tpu.memory_space<hbm>>, %arg3: memref<4000x1x80xi32, #tpu.memory_space<hbm>>, %arg4: memref<640x128xf32, #tpu.memory_space<hbm>>, %arg5: memref<2x10000x128xf32, #tpu.memory_space<hbm>>, %arg6: memref<4x80x128xf32, #tpu.memory_space<vmem>>, %arg7: memref<4x1x80xi32, #tpu.memory_space<vmem>>, %arg8: memref<10000x128xf32, #tpu.memory_space<vmem_shared>>, %arg9: memref<!tpu.dma_semaphore, #tpu.memory_space<semaphore_mem>>, %arg10: memref<!tpu.dma_semaphore, #tpu.memory_space<semaphore_mem>>, %arg11: memref<!tpu.dma_semaphore, #tpu.memory_space<semaphore_mem>>, %arg12: memref<!tpu.dma_semaphore, #tpu.memory_space<semaphore_mem>>, %arg13: memref<!tpu.dma_semaphore, #tpu.memory_space<semaphore_mem>>, %arg14: memref<!tpu.dma_semaphore, #tpu.memory_space<semaphore_mem>>, %arg15: memref<!tpu.dma_semaphore, #tpu.memory_space<semaphore_mem>>, %arg16: memref<!tpu.dma_semaphore, #tpu.memory_space<semaphore_mem>>) attributes {dimension_semantics = [#tpu.dimension_semantics<core_parallel>, #tpu.dimension_semantics<subcore_parallel>], iteration_bounds = array<i64: 2, 16>, scalar_prefetch = 0 : i64, scratch_operands = 11 : i64, tpu.core_type = #tpu.core_type<sc_vector_subcore>, window_params = [{transform_indices = #map}, {transform_indices = #map1}, {transform_indices = #map}, {transform_indices = #map1}]} {
    %mul3A = arith.constant 16 : i32
    %mul3A_0 = arith.muli %arg0, %mul3A : i32
    %add3A = arith.addi %mul3A_0, %arg1 : i32
    %mul3A_1 = arith.constant 10000 : i32
    %mul3A_2 = arith.muli %add3A, %mul3A_1 : i32
    %add3A_3 = arith.constant 0 : i32
    %add3A_4 = arith.addi %mul3A_2, %add3A_3 : i32
    %dma_start3A = arith.constant 0 : i32
    %dma_start3A_5 = arith.constant 0 : i32
    %dma_start3A_6 = arith.constant 0 : i32
    %dma_start3A_7 = tpu.memref_slice %arg6[%dma_start3A, %dma_start3A_5, %dma_start3A_6] : memref<4x80x128xf32, #tpu.memory_space<vmem>> -> memref<1x80x128xf32, #tpu.memory_space<vmem>>
    %dma_start3A_8 = tpu.memref_squeeze %dma_start3A_7 : memref<1x80x128xf32, #tpu.memory_space<vmem>> -> memref<80x128xf32, #tpu.memory_space<vmem>>
    %dma_start3A_9 = arith.constant 0 : i32
    %dma_start3A_10 = tpu.memref_slice %arg2[%add3A_4, %dma_start3A_9] : memref<320000x128xf32, #tpu.memory_space<hbm>> -> memref<80x128xf32, #tpu.memory_space<hbm>>
    %dma_start3A_11 = arith.constant 0 : i32
    %dma_start3A_12 = arith.constant 0 : i32
    %dma_start3A_13 = tpu.memref_slice %arg6[%dma_start3A, %dma_start3A_11, %dma_start3A_12] : memref<4x80x128xf32, #tpu.memory_space<vmem>> -> memref<1x80x128xf32, #tpu.memory_space<vmem>>
    %dma_start3A_14 = tpu.memref_squeeze %dma_start3A_13 : memref<1x80x128xf32, #tpu.memory_space<vmem>> -> memref<80x128xf32, #tpu.memory_space<vmem>>
    %dma_start3A_15 = arith.constant 0 : i32
    %dma_start3A_16 = tpu.memref_slice %arg2[%add3A_4, %dma_start3A_15] : memref<320000x128xf32, #tpu.memory_space<hbm>> -> memref<80x128xf32, #tpu.memory_space<hbm>>
    tpu.enqueue_dma source(%dma_start3A_16 : memref<80x128xf32, #tpu.memory_space<hbm>>) target(%dma_start3A_14 : memref<80x128xf32, #tpu.memory_space<vmem>>) target_semaphore(%arg9 : memref<!tpu.dma_semaphore, #tpu.memory_space<semaphore_mem>>)
    %mul3A_17 = arith.constant 125 : i32
    %mul3A_18 = arith.muli %add3A, %mul3A_17 : i32
    %add3A_19 = arith.constant 0 : i32
    %add3A_20 = arith.addi %mul3A_18, %add3A_19 : i32
    %dma_start3A_21 = arith.constant 0 : i32
    %dma_start3A_22 = arith.constant 0 : i32
    %dma_start3A_23 = arith.constant 0 : i32
    %dma_start3A_24 = tpu.memref_slice %arg7[%dma_start3A_21, %dma_start3A_22, %dma_start3A_23] : memref<4x1x80xi32, #tpu.memory_space<vmem>> -> memref<1x1x80xi32, #tpu.memory_space<vmem>>
    %dma_start3A_25 = tpu.memref_squeeze %dma_start3A_24 : memref<1x1x80xi32, #tpu.memory_space<vmem>> -> memref<1x80xi32, #tpu.memory_space<vmem>>
    %dma_start3A_26 = arith.constant 0 : i32
    %dma_start3A_27 = arith.constant 0 : i32
    %dma_start3A_28 = tpu.memref_slice %arg3[%add3A_20, %dma_start3A_26, %dma_start3A_27] : memref<4000x1x80xi32, #tpu.memory_space<hbm>> -> memref<1x1x80xi32, #tpu.memory_space<hbm>>
    %dma_start3A_29 = tpu.memref_squeeze %dma_start3A_28 : memref<1x1x80xi32, #tpu.memory_space<hbm>> -> memref<1x80xi32, #tpu.memory_space<hbm>>
    %dma_start3A_30 = arith.constant 0 : i32
    %dma_start3A_31 = arith.constant 0 : i32
    %dma_start3A_32 = tpu.memref_slice %arg7[%dma_start3A_21, %dma_start3A_30, %dma_start3A_31] : memref<4x1x80xi32, #tpu.memory_space<vmem>> -> memref<1x1x80xi32, #tpu.memory_space<vmem>>
    %dma_start3A_33 = tpu.memref_squeeze %dma_start3A_32 : memref<1x1x80xi32, #tpu.memory_space<vmem>> -> memref<1x80xi32, #tpu.memory_space<vmem>>
    %dma_start3A_34 = arith.constant 0 : i32
    %dma_start3A_35 = arith.constant 0 : i32
    %dma_start3A_36 = tpu.memref_slice %arg3[%add3A_20, %dma_start3A_34, %dma_start3A_35] : memref<4000x1x80xi32, #tpu.memory_space<hbm>> -> memref<1x1x80xi32, #tpu.memory_space<hbm>>
    %dma_start3A_37 = tpu.memref_squeeze %dma_start3A_36 : memref<1x1x80xi32, #tpu.memory_space<hbm>> -> memref<1x80xi32, #tpu.memory_space<hbm>>
    tpu.enqueue_dma source(%dma_start3A_37 : memref<1x80xi32, #tpu.memory_space<hbm>>) target(%dma_start3A_33 : memref<1x80xi32, #tpu.memory_space<vmem>>) target_semaphore(%arg9 : memref<!tpu.dma_semaphore, #tpu.memory_space<semaphore_mem>>)
    %add3A_38 = arith.constant 80 : i32
    %add3A_39 = arith.addi %mul3A_2, %add3A_38 : i32
    %dma_start3A_40 = arith.constant 1 : i32
    %dma_start3A_41 = arith.constant 0 : i32
    %dma_start3A_42 = arith.constant 0 : i32
    %dma_start3A_43 = tpu.memref_slice %arg6[%dma_start3A_40, %dma_start3A_41, %dma_start3A_42] : memref<4x80x128xf32, #tpu.memory_space<vmem>> -> memref<1x80x128xf32, #tpu.memory_space<vmem>>
    %dma_start3A_44 = tpu.memref_squeeze %dma_start3A_43 : memref<1x80x128xf32, #tpu.memory_space<vmem>> -> memref<80x128xf32, #tpu.memory_space<vmem>>
    %dma_start3A_45 = arith.constant 0 : i32
    %dma_start3A_46 = tpu.memref_slice %arg2[%add3A_39, %dma_start3A_45] : memref<320000x128xf32, #tpu.memory_space<hbm>> -> memref<80x128xf32, #tpu.memory_space<hbm>>
    %dma_start3A_47 = arith.constant 0 : i32
    %dma_start3A_48 = arith.constant 0 : i32
    %dma_start3A_49 = tpu.memref_slice %arg6[%dma_start3A_40, %dma_start3A_47, %dma_start3A_48] : memref<4x80x128xf32, #tpu.memory_space<vmem>> -> memref<1x80x128xf32, #tpu.memory_space<vmem>>
    %dma_start3A_50 = tpu.memref_squeeze %dma_start3A_49 : memref<1x80x128xf32, #tpu.memory_space<vmem>> -> memref<80x128xf32, #tpu.memory_space<vmem>>
    %dma_start3A_51 = arith.constant 0 : i32
    %dma_start3A_52 = tpu.memref_slice %arg2[%add3A_39, %dma_start3A_51] : memref<320000x128xf32, #tpu.memory_space<hbm>> -> memref<80x128xf32, #tpu.memory_space<hbm>>
    tpu.enqueue_dma source(%dma_start3A_52 : memref<80x128xf32, #tpu.memory_space<hbm>>) target(%dma_start3A_50 : memref<80x128xf32, #tpu.memory_space<vmem>>) target_semaphore(%arg10 : memref<!tpu.dma_semaphore, #tpu.memory_space<semaphore_mem>>)
    %mul3A_53 = arith.constant 125 : i32
    %mul3A_54 = arith.muli %add3A, %mul3A_53 : i32
    %add3A_55 = arith.constant 1 : i32
    %add3A_56 = arith.addi %mul3A_54, %add3A_55 : i32
    %dma_start3A_57 = arith.constant 1 : i32
    %dma_start3A_58 = arith.constant 0 : i32
    %dma_start3A_59 = arith.constant 0 : i32
    %dma_start3A_60 = tpu.memref_slice %arg7[%dma_start3A_57, %dma_start3A_58, %dma_start3A_59] : memref<4x1x80xi32, #tpu.memory_space<vmem>> -> memref<1x1x80xi32, #tpu.memory_space<vmem>>
    %dma_start3A_61 = tpu.memref_squeeze %dma_start3A_60 : memref<1x1x80xi32, #tpu.memory_space<vmem>> -> memref<1x80xi32, #tpu.memory_space<vmem>>
    %dma_start3A_62 = arith.constant 0 : i32
    %dma_start3A_63 = arith.constant 0 : i32
    %dma_start3A_64 = tpu.memref_slice %arg3[%add3A_56, %dma_start3A_62, %dma_start3A_63] : memref<4000x1x80xi32, #tpu.memory_space<hbm>> -> memref<1x1x80xi32, #tpu.memory_space<hbm>>
    %dma_start3A_65 = tpu.memref_squeeze %dma_start3A_64 : memref<1x1x80xi32, #tpu.memory_space<hbm>> -> memref<1x80xi32, #tpu.memory_space<hbm>>
    %dma_start3A_66 = arith.constant 0 : i32
    %dma_start3A_67 = arith.constant 0 : i32
    %dma_start3A_68 = tpu.memref_slice %arg7[%dma_start3A_57, %dma_start3A_66, %dma_start3A_67] : memref<4x1x80xi32, #tpu.memory_space<vmem>> -> memref<1x1x80xi32, #tpu.memory_space<vmem>>
    %dma_start3A_69 = tpu.memref_squeeze %dma_start3A_68 : memref<1x1x80xi32, #tpu.memory_space<vmem>> -> memref<1x80xi32, #tpu.memory_space<vmem>>
    %dma_start3A_70 = arith.constant 0 : i32
    %dma_start3A_71 = arith.constant 0 : i32
    %dma_start3A_72 = tpu.memref_slice %arg3[%add3A_56, %dma_start3A_70, %dma_start3A_71] : memref<4000x1x80xi32, #tpu.memory_space<hbm>> -> memref<1x1x80xi32, #tpu.memory_space<hbm>>
    %dma_start3A_73 = tpu.memref_squeeze %dma_start3A_72 : memref<1x1x80xi32, #tpu.memory_space<hbm>> -> memref<1x80xi32, #tpu.memory_space<hbm>>
    tpu.enqueue_dma source(%dma_start3A_73 : memref<1x80xi32, #tpu.memory_space<hbm>>) target(%dma_start3A_69 : memref<1x80xi32, #tpu.memory_space<vmem>>) target_semaphore(%arg10 : memref<!tpu.dma_semaphore, #tpu.memory_space<semaphore_mem>>)
    %lt3A = arith.constant 15 : i32
    %lt3A_74 = arith.cmpi slt, %arg1, %lt3A : i32
    %convert_element_type3A = arith.extui %lt3A_74 : i1 to i32
    %cond3A = arith.constant 0 : i32
    %cond3A_75 = arith.cmpi ne, %convert_element_type3A, %cond3A : i32
    scf.if %cond3A_75 {
      %mul3A_878 = arith.constant 624 : i32
      %mul3A_879 = arith.muli %arg1, %mul3A_878 : i32
      "tpu.region"() ({
        %run_scoped3A = tpu.sem_alloc : memref<!tpu.dma_semaphore, #tpu.memory_space<semaphore_mem>>
        %dma_start3A_880 = arith.constant 0 : i32
        %dma_start3A_881 = tpu.memref_slice %arg8[%mul3A_879, %dma_start3A_880] : memref<10000x128xf32, #tpu.memory_space<vmem_shared>> -> memref<624x128xf32, #tpu.memory_space<vmem_shared>>
        %dma_start3A_882 = arith.constant 0 : i32
        %dma_start3A_883 = arith.constant 0 : i32
        %dma_start3A_884 = tpu.memref_slice %arg4[%dma_start3A_882, %dma_start3A_883] : memref<640x128xf32, #tpu.memory_space<hbm>> -> memref<624x128xf32, #tpu.memory_space<hbm>>
        tpu.enqueue_dma source(%dma_start3A_884 : memref<624x128xf32, #tpu.memory_space<hbm>>) target(%dma_start3A_881 : memref<624x128xf32, #tpu.memory_space<vmem_shared>>) target_semaphore(%run_scoped3A : memref<!tpu.dma_semaphore, #tpu.memory_space<semaphore_mem>>)
        %dma_wait3A_885 = arith.constant 0 : i32
        %dma_wait3A_886 = tpu.memref_slice %arg8[%mul3A_879, %dma_wait3A_885] : memref<10000x128xf32, #tpu.memory_space<vmem_shared>> -> memref<624x128xf32, #tpu.memory_space<vmem_shared>>
        %dma_wait3A_887 = arith.constant 0 : i32
        %dma_wait3A_888 = arith.constant 0 : i32
        %dma_wait3A_889 = tpu.memref_slice %arg4[%dma_wait3A_887, %dma_wait3A_888] : memref<640x128xf32, #tpu.memory_space<hbm>> -> memref<624x128xf32, #tpu.memory_space<hbm>>
        tpu.wait_dma2 semaphore(%run_scoped3A : memref<!tpu.dma_semaphore, #tpu.memory_space<semaphore_mem>>) src(%dma_wait3A_889 : memref<624x128xf32, #tpu.memory_space<hbm>>) dst(%dma_wait3A_886 : memref<624x128xf32, #tpu.memory_space<vmem_shared>>)
        tpu.yield
      }) : () -> ()
    } else {
    }
    %eq3A = arith.constant 15 : i32
    %eq3A_76 = arith.cmpi eq, %arg1, %eq3A : i32
    %convert_element_type3A_77 = arith.extui %eq3A_76 : i1 to i32
    %cond3A_78 = arith.constant 0 : i32
    %cond3A_79 = arith.cmpi ne, %convert_element_type3A_77, %cond3A_78 : i32
    scf.if %cond3A_79 {
      "tpu.region"() ({
        %run_scoped3A = tpu.sem_alloc : memref<!tpu.dma_semaphore, #tpu.memory_space<semaphore_mem>>
        %dma_start3A_878 = arith.constant 9360 : i32
        %dma_start3A_879 = arith.constant 0 : i32
        %dma_start3A_880 = tpu.memref_slice %arg8[%dma_start3A_878, %dma_start3A_879] : memref<10000x128xf32, #tpu.memory_space<vmem_shared>> -> memref<640x128xf32, #tpu.memory_space<vmem_shared>>
        %dma_start3A_881 = arith.constant 0 : i32
        %dma_start3A_882 = arith.constant 0 : i32
        %dma_start3A_883 = tpu.memref_slice %arg4[%dma_start3A_881, %dma_start3A_882] : memref<640x128xf32, #tpu.memory_space<hbm>> -> memref<640x128xf32, #tpu.memory_space<hbm>>
        tpu.enqueue_dma source(%dma_start3A_883 : memref<640x128xf32, #tpu.memory_space<hbm>>) target(%dma_start3A_880 : memref<640x128xf32, #tpu.memory_space<vmem_shared>>) target_semaphore(%run_scoped3A : memref<!tpu.dma_semaphore, #tpu.memory_space<semaphore_mem>>)
        %dma_wait3A_884 = arith.constant 9360 : i32
        %dma_wait3A_885 = arith.constant 0 : i32
        %dma_wait3A_886 = tpu.memref_slice %arg8[%dma_wait3A_884, %dma_wait3A_885] : memref<10000x128xf32, #tpu.memory_space<vmem_shared>> -> memref<640x128xf32, #tpu.memory_space<vmem_shared>>
        %dma_wait3A_887 = arith.constant 0 : i32
        %dma_wait3A_888 = arith.constant 0 : i32
        %dma_wait3A_889 = tpu.memref_slice %arg4[%dma_wait3A_887, %dma_wait3A_888] : memref<640x128xf32, #tpu.memory_space<hbm>> -> memref<640x128xf32, #tpu.memory_space<hbm>>
        tpu.wait_dma2 semaphore(%run_scoped3A : memref<!tpu.dma_semaphore, #tpu.memory_space<semaphore_mem>>) src(%dma_wait3A_889 : memref<640x128xf32, #tpu.memory_space<hbm>>) dst(%dma_wait3A_886 : memref<640x128xf32, #tpu.memory_space<vmem_shared>>)
        tpu.yield
      }) : () -> ()
    } else {
    }
    %barrier3A = arith.constant 0 : index
    tpu.barrier barrier_id(%barrier3A)
    %dma_wait3A = arith.constant 0 : i32
    %dma_wait3A_80 = arith.constant 0 : i32
    %dma_wait3A_81 = arith.constant 0 : i32
    %dma_wait3A_82 = tpu.memref_slice %arg6[%dma_wait3A, %dma_wait3A_80, %dma_wait3A_81] : memref<4x80x128xf32, #tpu.memory_space<vmem>> -> memref<1x80x128xf32, #tpu.memory_space<vmem>>
    %dma_wait3A_83 = tpu.memref_squeeze %dma_wait3A_82 : memref<1x80x128xf32, #tpu.memory_space<vmem>> -> memref<80x128xf32, #tpu.memory_space<vmem>>
    %dma_wait3A_84 = arith.constant 0 : i32
    %dma_wait3A_85 = arith.constant 0 : i32
    %dma_wait3A_86 = tpu.memref_slice %arg2[%dma_wait3A_84, %dma_wait3A_85] : memref<320000x128xf32, #tpu.memory_space<hbm>> -> memref<80x128xf32, #tpu.memory_space<hbm>>
    %dma_wait3A_87 = arith.constant 0 : i32
    %dma_wait3A_88 = arith.constant 0 : i32
    %dma_wait3A_89 = tpu.memref_slice %arg6[%dma_wait3A, %dma_wait3A_87, %dma_wait3A_88] : memref<4x80x128xf32, #tpu.memory_space<vmem>> -> memref<1x80x128xf32, #tpu.memory_space<vmem>>
    %dma_wait3A_90 = tpu.memref_squeeze %dma_wait3A_89 : memref<1x80x128xf32, #tpu.memory_space<vmem>> -> memref<80x128xf32, #tpu.memory_space<vmem>>
    %dma_wait3A_91 = arith.constant 0 : i32
    %dma_wait3A_92 = arith.constant 0 : i32
    %dma_wait3A_93 = tpu.memref_slice %arg2[%dma_wait3A_91, %dma_wait3A_92] : memref<320000x128xf32, #tpu.memory_space<hbm>> -> memref<80x128xf32, #tpu.memory_space<hbm>>
    tpu.wait_dma2 semaphore(%arg9 : memref<!tpu.dma_semaphore, #tpu.memory_space<semaphore_mem>>) src(%dma_wait3A_93 : memref<80x128xf32, #tpu.memory_space<hbm>>) dst(%dma_wait3A_90 : memref<80x128xf32, #tpu.memory_space<vmem>>)
    %dma_wait3A_94 = arith.constant 0 : i32
    %dma_wait3A_95 = arith.constant 0 : i32
    %dma_wait3A_96 = arith.constant 0 : i32
    %dma_wait3A_97 = arith.constant 0 : i32
    %dma_wait3A_98 = tpu.memref_slice %arg7[%dma_wait3A_95, %dma_wait3A_96, %dma_wait3A_97] : memref<4x1x80xi32, #tpu.memory_space<vmem>> -> memref<1x1x80xi32, #tpu.memory_space<vmem>>
    %dma_wait3A_99 = tpu.memref_squeeze %dma_wait3A_98 : memref<1x1x80xi32, #tpu.memory_space<vmem>> -> memref<1x80xi32, #tpu.memory_space<vmem>>
    %dma_wait3A_100 = arith.constant 0 : i32
    %dma_wait3A_101 = arith.constant 0 : i32
    %dma_wait3A_102 = tpu.memref_slice %arg3[%dma_wait3A_94, %dma_wait3A_100, %dma_wait3A_101] : memref<4000x1x80xi32, #tpu.memory_space<hbm>> -> memref<1x1x80xi32, #tpu.memory_space<hbm>>
    %dma_wait3A_103 = tpu.memref_squeeze %dma_wait3A_102 : memref<1x1x80xi32, #tpu.memory_space<hbm>> -> memref<1x80xi32, #tpu.memory_space<hbm>>
    %dma_wait3A_104 = arith.constant 0 : i32
    %dma_wait3A_105 = arith.constant 0 : i32
    %dma_wait3A_106 = tpu.memref_slice %arg7[%dma_wait3A_95, %dma_wait3A_104, %dma_wait3A_105] : memref<4x1x80xi32, #tpu.memory_space<vmem>> -> memref<1x1x80xi32, #tpu.memory_space<vmem>>
    %dma_wait3A_107 = tpu.memref_squeeze %dma_wait3A_106 : memref<1x1x80xi32, #tpu.memory_space<vmem>> -> memref<1x80xi32, #tpu.memory_space<vmem>>
    %dma_wait3A_108 = arith.constant 0 : i32
    %dma_wait3A_109 = arith.constant 0 : i32
    %dma_wait3A_110 = tpu.memref_slice %arg3[%dma_wait3A_94, %dma_wait3A_108, %dma_wait3A_109] : memref<4000x1x80xi32, #tpu.memory_space<hbm>> -> memref<1x1x80xi32, #tpu.memory_space<hbm>>
    %dma_wait3A_111 = tpu.memref_squeeze %dma_wait3A_110 : memref<1x1x80xi32, #tpu.memory_space<hbm>> -> memref<1x80xi32, #tpu.memory_space<hbm>>
    tpu.wait_dma2 semaphore(%arg9 : memref<!tpu.dma_semaphore, #tpu.memory_space<semaphore_mem>>) src(%dma_wait3A_111 : memref<1x80xi32, #tpu.memory_space<hbm>>) dst(%dma_wait3A_107 : memref<1x80xi32, #tpu.memory_space<vmem>>)
    %dma_start3A_112 = arith.constant 0 : i32
    %dma_start3A_113 = arith.constant 0 : i32
    %dma_start3A_114 = arith.constant 0 : i32
    %dma_start3A_115 = arith.constant 0 : i32
    %dma_start3A_116 = arith.constant 0 : i32
    %dma_start3A_117 = tpu.memref_slice %arg6[%dma_start3A_112, %dma_start3A_115, %dma_start3A_116] : memref<4x80x128xf32, #tpu.memory_space<vmem>> -> memref<1x80x128xf32, #tpu.memory_space<vmem>>
    %dma_start3A_118 = tpu.memref_squeeze %dma_start3A_117 : memref<1x80x128xf32, #tpu.memory_space<vmem>> -> memref<80x128xf32, #tpu.memory_space<vmem>>
    %dma_start3A_119 = arith.constant 0 : i32
    %dma_start3A_120 = tpu.memref_slice %arg7[%dma_start3A_113, %dma_start3A_114, %dma_start3A_119] : memref<4x1x80xi32, #tpu.memory_space<vmem>> -> memref<1x1x80xi32, #tpu.memory_space<vmem>>
    %dma_start3A_121 = tpu.memref_squeeze %dma_start3A_120 : memref<1x1x80xi32, #tpu.memory_space<vmem>> -> memref<80xi32, #tpu.memory_space<vmem>>
    %dma_start3A_122 = arith.constant 0 : i32
    %dma_start3A_123 = arith.constant 0 : i32
    %dma_start3A_124 = tpu.memref_slice %arg8[%dma_start3A_122, %dma_start3A_123] : memref<10000x128xf32, #tpu.memory_space<vmem_shared>> -> memref<10000x128xf32, #tpu.memory_space<vmem_shared>>
    tpu.enqueue_indirect_dma source(%dma_start3A_118 : memref<80x128xf32, #tpu.memory_space<vmem>>) target(%dma_start3A_124 : memref<10000x128xf32, #tpu.memory_space<vmem_shared>>) offsets(%dma_start3A_121 : memref<80xi32, #tpu.memory_space<vmem>>) semaphore(%arg13 : memref<!tpu.dma_semaphore, #tpu.memory_space<semaphore_mem>>) {add = true}
    %add3A_125 = arith.constant 160 : i32
    %add3A_126 = arith.addi %mul3A_2, %add3A_125 : i32
    %dma_start3A_127 = arith.constant 2 : i32
    %dma_start3A_128 = arith.constant 0 : i32
    %dma_start3A_129 = arith.constant 0 : i32
    %dma_start3A_130 = tpu.memref_slice %arg6[%dma_start3A_127, %dma_start3A_128, %dma_start3A_129] : memref<4x80x128xf32, #tpu.memory_space<vmem>> -> memref<1x80x128xf32, #tpu.memory_space<vmem>>
    %dma_start3A_131 = tpu.memref_squeeze %dma_start3A_130 : memref<1x80x128xf32, #tpu.memory_space<vmem>> -> memref<80x128xf32, #tpu.memory_space<vmem>>
    %dma_start3A_132 = arith.constant 0 : i32
    %dma_start3A_133 = tpu.memref_slice %arg2[%add3A_126, %dma_start3A_132] : memref<320000x128xf32, #tpu.memory_space<hbm>> -> memref<80x128xf32, #tpu.memory_space<hbm>>
    %dma_start3A_134 = arith.constant 0 : i32
    %dma_start3A_135 = arith.constant 0 : i32
    %dma_start3A_136 = tpu.memref_slice %arg6[%dma_start3A_127, %dma_start3A_134, %dma_start3A_135] : memref<4x80x128xf32, #tpu.memory_space<vmem>> -> memref<1x80x128xf32, #tpu.memory_space<vmem>>
    %dma_start3A_137 = tpu.memref_squeeze %dma_start3A_136 : memref<1x80x128xf32, #tpu.memory_space<vmem>> -> memref<80x128xf32, #tpu.memory_space<vmem>>
    %dma_start3A_138 = arith.constant 0 : i32
    %dma_start3A_139 = tpu.memref_slice %arg2[%add3A_126, %dma_start3A_138] : memref<320000x128xf32, #tpu.memory_space<hbm>> -> memref<80x128xf32, #tpu.memory_space<hbm>>
    tpu.enqueue_dma source(%dma_start3A_139 : memref<80x128xf32, #tpu.memory_space<hbm>>) target(%dma_start3A_137 : memref<80x128xf32, #tpu.memory_space<vmem>>) target_semaphore(%arg11 : memref<!tpu.dma_semaphore, #tpu.memory_space<semaphore_mem>>)
    %mul3A_140 = arith.constant 125 : i32
    %mul3A_141 = arith.muli %add3A, %mul3A_140 : i32
    %add3A_142 = arith.constant 2 : i32
    %add3A_143 = arith.addi %mul3A_141, %add3A_142 : i32
    %dma_start3A_144 = arith.constant 2 : i32
    %dma_start3A_145 = arith.constant 0 : i32
    %dma_start3A_146 = arith.constant 0 : i32
    %dma_start3A_147 = tpu.memref_slice %arg7[%dma_start3A_144, %dma_start3A_145, %dma_start3A_146] : memref<4x1x80xi32, #tpu.memory_space<vmem>> -> memref<1x1x80xi32, #tpu.memory_space<vmem>>
    %dma_start3A_148 = tpu.memref_squeeze %dma_start3A_147 : memref<1x1x80xi32, #tpu.memory_space<vmem>> -> memref<1x80xi32, #tpu.memory_space<vmem>>
    %dma_start3A_149 = arith.constant 0 : i32
    %dma_start3A_150 = arith.constant 0 : i32
    %dma_start3A_151 = tpu.memref_slice %arg3[%add3A_143, %dma_start3A_149, %dma_start3A_150] : memref<4000x1x80xi32, #tpu.memory_space<hbm>> -> memref<1x1x80xi32, #tpu.memory_space<hbm>>
    %dma_start3A_152 = tpu.memref_squeeze %dma_start3A_151 : memref<1x1x80xi32, #tpu.memory_space<hbm>> -> memref<1x80xi32, #tpu.memory_space<hbm>>
    %dma_start3A_153 = arith.constant 0 : i32
    %dma_start3A_154 = arith.constant 0 : i32
    %dma_start3A_155 = tpu.memref_slice %arg7[%dma_start3A_144, %dma_start3A_153, %dma_start3A_154] : memref<4x1x80xi32, #tpu.memory_space<vmem>> -> memref<1x1x80xi32, #tpu.memory_space<vmem>>
    %dma_start3A_156 = tpu.memref_squeeze %dma_start3A_155 : memref<1x1x80xi32, #tpu.memory_space<vmem>> -> memref<1x80xi32, #tpu.memory_space<vmem>>
    %dma_start3A_157 = arith.constant 0 : i32
    %dma_start3A_158 = arith.constant 0 : i32
    %dma_start3A_159 = tpu.memref_slice %arg3[%add3A_143, %dma_start3A_157, %dma_start3A_158] : memref<4000x1x80xi32, #tpu.memory_space<hbm>> -> memref<1x1x80xi32, #tpu.memory_space<hbm>>
    %dma_start3A_160 = tpu.memref_squeeze %dma_start3A_159 : memref<1x1x80xi32, #tpu.memory_space<hbm>> -> memref<1x80xi32, #tpu.memory_space<hbm>>
    tpu.enqueue_dma source(%dma_start3A_160 : memref<1x80xi32, #tpu.memory_space<hbm>>) target(%dma_start3A_156 : memref<1x80xi32, #tpu.memory_space<vmem>>) target_semaphore(%arg11 : memref<!tpu.dma_semaphore, #tpu.memory_space<semaphore_mem>>)
    %dma_wait3A_161 = arith.constant 1 : i32
    %dma_wait3A_162 = arith.constant 0 : i32
    %dma_wait3A_163 = arith.constant 0 : i32
    %dma_wait3A_164 = tpu.memref_slice %arg6[%dma_wait3A_161, %dma_wait3A_162, %dma_wait3A_163] : memref<4x80x128xf32, #tpu.memory_space<vmem>> -> memref<1x80x128xf32, #tpu.memory_space<vmem>>
    %dma_wait3A_165 = tpu.memref_squeeze %dma_wait3A_164 : memref<1x80x128xf32, #tpu.memory_space<vmem>> -> memref<80x128xf32, #tpu.memory_space<vmem>>
    %dma_wait3A_166 = arith.constant 0 : i32
    %dma_wait3A_167 = arith.constant 0 : i32
    %dma_wait3A_168 = tpu.memref_slice %arg2[%dma_wait3A_166, %dma_wait3A_167] : memref<320000x128xf32, #tpu.memory_space<hbm>> -> memref<80x128xf32, #tpu.memory_space<hbm>>
    %dma_wait3A_169 = arith.constant 0 : i32
    %dma_wait3A_170 = arith.constant 0 : i32
    %dma_wait3A_171 = tpu.memref_slice %arg6[%dma_wait3A_161, %dma_wait3A_169, %dma_wait3A_170] : memref<4x80x128xf32, #tpu.memory_space<vmem>> -> memref<1x80x128xf32, #tpu.memory_space<vmem>>
    %dma_wait3A_172 = tpu.memref_squeeze %dma_wait3A_171 : memref<1x80x128xf32, #tpu.memory_space<vmem>> -> memref<80x128xf32, #tpu.memory_space<vmem>>
    %dma_wait3A_173 = arith.constant 0 : i32
    %dma_wait3A_174 = arith.constant 0 : i32
    %dma_wait3A_175 = tpu.memref_slice %arg2[%dma_wait3A_173, %dma_wait3A_174] : memref<320000x128xf32, #tpu.memory_space<hbm>> -> memref<80x128xf32, #tpu.memory_space<hbm>>
    tpu.wait_dma2 semaphore(%arg10 : memref<!tpu.dma_semaphore, #tpu.memory_space<semaphore_mem>>) src(%dma_wait3A_175 : memref<80x128xf32, #tpu.memory_space<hbm>>) dst(%dma_wait3A_172 : memref<80x128xf32, #tpu.memory_space<vmem>>)
    %dma_wait3A_176 = arith.constant 0 : i32
    %dma_wait3A_177 = arith.constant 1 : i32
    %dma_wait3A_178 = arith.constant 0 : i32
    %dma_wait3A_179 = arith.constant 0 : i32
    %dma_wait3A_180 = tpu.memref_slice %arg7[%dma_wait3A_177, %dma_wait3A_178, %dma_wait3A_179] : memref<4x1x80xi32, #tpu.memory_space<vmem>> -> memref<1x1x80xi32, #tpu.memory_space<vmem>>
    %dma_wait3A_181 = tpu.memref_squeeze %dma_wait3A_180 : memref<1x1x80xi32, #tpu.memory_space<vmem>> -> memref<1x80xi32, #tpu.memory_space<vmem>>
    %dma_wait3A_182 = arith.constant 0 : i32
    %dma_wait3A_183 = arith.constant 0 : i32
    %dma_wait3A_184 = tpu.memref_slice %arg3[%dma_wait3A_176, %dma_wait3A_182, %dma_wait3A_183] : memref<4000x1x80xi32, #tpu.memory_space<hbm>> -> memref<1x1x80xi32, #tpu.memory_space<hbm>>
    %dma_wait3A_185 = tpu.memref_squeeze %dma_wait3A_184 : memref<1x1x80xi32, #tpu.memory_space<hbm>> -> memref<1x80xi32, #tpu.memory_space<hbm>>
    %dma_wait3A_186 = arith.constant 0 : i32
    %dma_wait3A_187 = arith.constant 0 : i32
    %dma_wait3A_188 = tpu.memref_slice %arg7[%dma_wait3A_177, %dma_wait3A_186, %dma_wait3A_187] : memref<4x1x80xi32, #tpu.memory_space<vmem>> -> memref<1x1x80xi32, #tpu.memory_space<vmem>>
    %dma_wait3A_189 = tpu.memref_squeeze %dma_wait3A_188 : memref<1x1x80xi32, #tpu.memory_space<vmem>> -> memref<1x80xi32, #tpu.memory_space<vmem>>
    %dma_wait3A_190 = arith.constant 0 : i32
    %dma_wait3A_191 = arith.constant 0 : i32
    %dma_wait3A_192 = tpu.memref_slice %arg3[%dma_wait3A_176, %dma_wait3A_190, %dma_wait3A_191] : memref<4000x1x80xi32, #tpu.memory_space<hbm>> -> memref<1x1x80xi32, #tpu.memory_space<hbm>>
    %dma_wait3A_193 = tpu.memref_squeeze %dma_wait3A_192 : memref<1x1x80xi32, #tpu.memory_space<hbm>> -> memref<1x80xi32, #tpu.memory_space<hbm>>
    tpu.wait_dma2 semaphore(%arg10 : memref<!tpu.dma_semaphore, #tpu.memory_space<semaphore_mem>>) src(%dma_wait3A_193 : memref<1x80xi32, #tpu.memory_space<hbm>>) dst(%dma_wait3A_189 : memref<1x80xi32, #tpu.memory_space<vmem>>)
    %dma_start3A_194 = arith.constant 1 : i32
    %dma_start3A_195 = arith.constant 1 : i32
    %dma_start3A_196 = arith.constant 0 : i32
    %dma_start3A_197 = arith.constant 0 : i32
    %dma_start3A_198 = arith.constant 0 : i32
    %dma_start3A_199 = tpu.memref_slice %arg6[%dma_start3A_194, %dma_start3A_197, %dma_start3A_198] : memref<4x80x128xf32, #tpu.memory_space<vmem>> -> memref<1x80x128xf32, #tpu.memory_space<vmem>>
    %dma_start3A_200 = tpu.memref_squeeze %dma_start3A_199 : memref<1x80x128xf32, #tpu.memory_space<vmem>> -> memref<80x128xf32, #tpu.memory_space<vmem>>
    %dma_start3A_201 = arith.constant 0 : i32
    %dma_start3A_202 = tpu.memref_slice %arg7[%dma_start3A_195, %dma_start3A_196, %dma_start3A_201] : memref<4x1x80xi32, #tpu.memory_space<vmem>> -> memref<1x1x80xi32, #tpu.memory_space<vmem>>
    %dma_start3A_203 = tpu.memref_squeeze %dma_start3A_202 : memref<1x1x80xi32, #tpu.memory_space<vmem>> -> memref<80xi32, #tpu.memory_space<vmem>>
    %dma_start3A_204 = arith.constant 0 : i32
    %dma_start3A_205 = arith.constant 0 : i32
    %dma_start3A_206 = tpu.memref_slice %arg8[%dma_start3A_204, %dma_start3A_205] : memref<10000x128xf32, #tpu.memory_space<vmem_shared>> -> memref<10000x128xf32, #tpu.memory_space<vmem_shared>>
    tpu.enqueue_indirect_dma source(%dma_start3A_200 : memref<80x128xf32, #tpu.memory_space<vmem>>) target(%dma_start3A_206 : memref<10000x128xf32, #tpu.memory_space<vmem_shared>>) offsets(%dma_start3A_203 : memref<80xi32, #tpu.memory_space<vmem>>) semaphore(%arg14 : memref<!tpu.dma_semaphore, #tpu.memory_space<semaphore_mem>>) {add = true}
    %add3A_207 = arith.constant 240 : i32
    %add3A_208 = arith.addi %mul3A_2, %add3A_207 : i32
    %dma_start3A_209 = arith.constant 3 : i32
    %dma_start3A_210 = arith.constant 0 : i32
    %dma_start3A_211 = arith.constant 0 : i32
    %dma_start3A_212 = tpu.memref_slice %arg6[%dma_start3A_209, %dma_start3A_210, %dma_start3A_211] : memref<4x80x128xf32, #tpu.memory_space<vmem>> -> memref<1x80x128xf32, #tpu.memory_space<vmem>>
    %dma_start3A_213 = tpu.memref_squeeze %dma_start3A_212 : memref<1x80x128xf32, #tpu.memory_space<vmem>> -> memref<80x128xf32, #tpu.memory_space<vmem>>
    %dma_start3A_214 = arith.constant 0 : i32
    %dma_start3A_215 = tpu.memref_slice %arg2[%add3A_208, %dma_start3A_214] : memref<320000x128xf32, #tpu.memory_space<hbm>> -> memref<80x128xf32, #tpu.memory_space<hbm>>
    %dma_start3A_216 = arith.constant 0 : i32
    %dma_start3A_217 = arith.constant 0 : i32
    %dma_start3A_218 = tpu.memref_slice %arg6[%dma_start3A_209, %dma_start3A_216, %dma_start3A_217] : memref<4x80x128xf32, #tpu.memory_space<vmem>> -> memref<1x80x128xf32, #tpu.memory_space<vmem>>
    %dma_start3A_219 = tpu.memref_squeeze %dma_start3A_218 : memref<1x80x128xf32, #tpu.memory_space<vmem>> -> memref<80x128xf32, #tpu.memory_space<vmem>>
    %dma_start3A_220 = arith.constant 0 : i32
    %dma_start3A_221 = tpu.memref_slice %arg2[%add3A_208, %dma_start3A_220] : memref<320000x128xf32, #tpu.memory_space<hbm>> -> memref<80x128xf32, #tpu.memory_space<hbm>>
    tpu.enqueue_dma source(%dma_start3A_221 : memref<80x128xf32, #tpu.memory_space<hbm>>) target(%dma_start3A_219 : memref<80x128xf32, #tpu.memory_space<vmem>>) target_semaphore(%arg12 : memref<!tpu.dma_semaphore, #tpu.memory_space<semaphore_mem>>)
    %mul3A_222 = arith.constant 125 : i32
    %mul3A_223 = arith.muli %add3A, %mul3A_222 : i32
    %add3A_224 = arith.constant 3 : i32
    %add3A_225 = arith.addi %mul3A_223, %add3A_224 : i32
    %dma_start3A_226 = arith.constant 3 : i32
    %dma_start3A_227 = arith.constant 0 : i32
    %dma_start3A_228 = arith.constant 0 : i32
    %dma_start3A_229 = tpu.memref_slice %arg7[%dma_start3A_226, %dma_start3A_227, %dma_start3A_228] : memref<4x1x80xi32, #tpu.memory_space<vmem>> -> memref<1x1x80xi32, #tpu.memory_space<vmem>>
    %dma_start3A_230 = tpu.memref_squeeze %dma_start3A_229 : memref<1x1x80xi32, #tpu.memory_space<vmem>> -> memref<1x80xi32, #tpu.memory_space<vmem>>
    %dma_start3A_231 = arith.constant 0 : i32
    %dma_start3A_232 = arith.constant 0 : i32
    %dma_start3A_233 = tpu.memref_slice %arg3[%add3A_225, %dma_start3A_231, %dma_start3A_232] : memref<4000x1x80xi32, #tpu.memory_space<hbm>> -> memref<1x1x80xi32, #tpu.memory_space<hbm>>
    %dma_start3A_234 = tpu.memref_squeeze %dma_start3A_233 : memref<1x1x80xi32, #tpu.memory_space<hbm>> -> memref<1x80xi32, #tpu.memory_space<hbm>>
    %dma_start3A_235 = arith.constant 0 : i32
    %dma_start3A_236 = arith.constant 0 : i32
    %dma_start3A_237 = tpu.memref_slice %arg7[%dma_start3A_226, %dma_start3A_235, %dma_start3A_236] : memref<4x1x80xi32, #tpu.memory_space<vmem>> -> memref<1x1x80xi32, #tpu.memory_space<vmem>>
    %dma_start3A_238 = tpu.memref_squeeze %dma_start3A_237 : memref<1x1x80xi32, #tpu.memory_space<vmem>> -> memref<1x80xi32, #tpu.memory_space<vmem>>
    %dma_start3A_239 = arith.constant 0 : i32
    %dma_start3A_240 = arith.constant 0 : i32
    %dma_start3A_241 = tpu.memref_slice %arg3[%add3A_225, %dma_start3A_239, %dma_start3A_240] : memref<4000x1x80xi32, #tpu.memory_space<hbm>> -> memref<1x1x80xi32, #tpu.memory_space<hbm>>
    %dma_start3A_242 = tpu.memref_squeeze %dma_start3A_241 : memref<1x1x80xi32, #tpu.memory_space<hbm>> -> memref<1x80xi32, #tpu.memory_space<hbm>>
    tpu.enqueue_dma source(%dma_start3A_242 : memref<1x80xi32, #tpu.memory_space<hbm>>) target(%dma_start3A_238 : memref<1x80xi32, #tpu.memory_space<vmem>>) target_semaphore(%arg12 : memref<!tpu.dma_semaphore, #tpu.memory_space<semaphore_mem>>)
    %dma_wait3A_243 = arith.constant 2 : i32
    %dma_wait3A_244 = arith.constant 0 : i32
    %dma_wait3A_245 = arith.constant 0 : i32
    %dma_wait3A_246 = tpu.memref_slice %arg6[%dma_wait3A_243, %dma_wait3A_244, %dma_wait3A_245] : memref<4x80x128xf32, #tpu.memory_space<vmem>> -> memref<1x80x128xf32, #tpu.memory_space<vmem>>
    %dma_wait3A_247 = tpu.memref_squeeze %dma_wait3A_246 : memref<1x80x128xf32, #tpu.memory_space<vmem>> -> memref<80x128xf32, #tpu.memory_space<vmem>>
    %dma_wait3A_248 = arith.constant 0 : i32
    %dma_wait3A_249 = arith.constant 0 : i32
    %dma_wait3A_250 = tpu.memref_slice %arg2[%dma_wait3A_248, %dma_wait3A_249] : memref<320000x128xf32, #tpu.memory_space<hbm>> -> memref<80x128xf32, #tpu.memory_space<hbm>>
    %dma_wait3A_251 = arith.constant 0 : i32
    %dma_wait3A_252 = arith.constant 0 : i32
    %dma_wait3A_253 = tpu.memref_slice %arg6[%dma_wait3A_243, %dma_wait3A_251, %dma_wait3A_252] : memref<4x80x128xf32, #tpu.memory_space<vmem>> -> memref<1x80x128xf32, #tpu.memory_space<vmem>>
    %dma_wait3A_254 = tpu.memref_squeeze %dma_wait3A_253 : memref<1x80x128xf32, #tpu.memory_space<vmem>> -> memref<80x128xf32, #tpu.memory_space<vmem>>
    %dma_wait3A_255 = arith.constant 0 : i32
    %dma_wait3A_256 = arith.constant 0 : i32
    %dma_wait3A_257 = tpu.memref_slice %arg2[%dma_wait3A_255, %dma_wait3A_256] : memref<320000x128xf32, #tpu.memory_space<hbm>> -> memref<80x128xf32, #tpu.memory_space<hbm>>
    tpu.wait_dma2 semaphore(%arg11 : memref<!tpu.dma_semaphore, #tpu.memory_space<semaphore_mem>>) src(%dma_wait3A_257 : memref<80x128xf32, #tpu.memory_space<hbm>>) dst(%dma_wait3A_254 : memref<80x128xf32, #tpu.memory_space<vmem>>)
    %dma_wait3A_258 = arith.constant 0 : i32
    %dma_wait3A_259 = arith.constant 2 : i32
    %dma_wait3A_260 = arith.constant 0 : i32
    %dma_wait3A_261 = arith.constant 0 : i32
    %dma_wait3A_262 = tpu.memref_slice %arg7[%dma_wait3A_259, %dma_wait3A_260, %dma_wait3A_261] : memref<4x1x80xi32, #tpu.memory_space<vmem>> -> memref<1x1x80xi32, #tpu.memory_space<vmem>>
    %dma_wait3A_263 = tpu.memref_squeeze %dma_wait3A_262 : memref<1x1x80xi32, #tpu.memory_space<vmem>> -> memref<1x80xi32, #tpu.memory_space<vmem>>
    %dma_wait3A_264 = arith.constant 0 : i32
    %dma_wait3A_265 = arith.constant 0 : i32
    %dma_wait3A_266 = tpu.memref_slice %arg3[%dma_wait3A_258, %dma_wait3A_264, %dma_wait3A_265] : memref<4000x1x80xi32, #tpu.memory_space<hbm>> -> memref<1x1x80xi32, #tpu.memory_space<hbm>>
    %dma_wait3A_267 = tpu.memref_squeeze %dma_wait3A_266 : memref<1x1x80xi32, #tpu.memory_space<hbm>> -> memref<1x80xi32, #tpu.memory_space<hbm>>
    %dma_wait3A_268 = arith.constant 0 : i32
    %dma_wait3A_269 = arith.constant 0 : i32
    %dma_wait3A_270 = tpu.memref_slice %arg7[%dma_wait3A_259, %dma_wait3A_268, %dma_wait3A_269] : memref<4x1x80xi32, #tpu.memory_space<vmem>> -> memref<1x1x80xi32, #tpu.memory_space<vmem>>
    %dma_wait3A_271 = tpu.memref_squeeze %dma_wait3A_270 : memref<1x1x80xi32, #tpu.memory_space<vmem>> -> memref<1x80xi32, #tpu.memory_space<vmem>>
    %dma_wait3A_272 = arith.constant 0 : i32
    %dma_wait3A_273 = arith.constant 0 : i32
    %dma_wait3A_274 = tpu.memref_slice %arg3[%dma_wait3A_258, %dma_wait3A_272, %dma_wait3A_273] : memref<4000x1x80xi32, #tpu.memory_space<hbm>> -> memref<1x1x80xi32, #tpu.memory_space<hbm>>
    %dma_wait3A_275 = tpu.memref_squeeze %dma_wait3A_274 : memref<1x1x80xi32, #tpu.memory_space<hbm>> -> memref<1x80xi32, #tpu.memory_space<hbm>>
    tpu.wait_dma2 semaphore(%arg11 : memref<!tpu.dma_semaphore, #tpu.memory_space<semaphore_mem>>) src(%dma_wait3A_275 : memref<1x80xi32, #tpu.memory_space<hbm>>) dst(%dma_wait3A_271 : memref<1x80xi32, #tpu.memory_space<vmem>>)
    %dma_start3A_276 = arith.constant 2 : i32
    %dma_start3A_277 = arith.constant 2 : i32
    %dma_start3A_278 = arith.constant 0 : i32
    %dma_start3A_279 = arith.constant 0 : i32
    %dma_start3A_280 = arith.constant 0 : i32
    %dma_start3A_281 = tpu.memref_slice %arg6[%dma_start3A_276, %dma_start3A_279, %dma_start3A_280] : memref<4x80x128xf32, #tpu.memory_space<vmem>> -> memref<1x80x128xf32, #tpu.memory_space<vmem>>
    %dma_start3A_282 = tpu.memref_squeeze %dma_start3A_281 : memref<1x80x128xf32, #tpu.memory_space<vmem>> -> memref<80x128xf32, #tpu.memory_space<vmem>>
    %dma_start3A_283 = arith.constant 0 : i32
    %dma_start3A_284 = tpu.memref_slice %arg7[%dma_start3A_277, %dma_start3A_278, %dma_start3A_283] : memref<4x1x80xi32, #tpu.memory_space<vmem>> -> memref<1x1x80xi32, #tpu.memory_space<vmem>>
    %dma_start3A_285 = tpu.memref_squeeze %dma_start3A_284 : memref<1x1x80xi32, #tpu.memory_space<vmem>> -> memref<80xi32, #tpu.memory_space<vmem>>
    %dma_start3A_286 = arith.constant 0 : i32
    %dma_start3A_287 = arith.constant 0 : i32
    %dma_start3A_288 = tpu.memref_slice %arg8[%dma_start3A_286, %dma_start3A_287] : memref<10000x128xf32, #tpu.memory_space<vmem_shared>> -> memref<10000x128xf32, #tpu.memory_space<vmem_shared>>
    tpu.enqueue_indirect_dma source(%dma_start3A_282 : memref<80x128xf32, #tpu.memory_space<vmem>>) target(%dma_start3A_288 : memref<10000x128xf32, #tpu.memory_space<vmem_shared>>) offsets(%dma_start3A_285 : memref<80xi32, #tpu.memory_space<vmem>>) semaphore(%arg15 : memref<!tpu.dma_semaphore, #tpu.memory_space<semaphore_mem>>) {add = true}
    %dma_wait3A_289 = arith.constant 0 : i32
    %dma_wait3A_290 = arith.constant 0 : i32
    %dma_wait3A_291 = arith.constant 0 : i32
    %dma_wait3A_292 = arith.constant 0 : i32
    %dma_wait3A_293 = arith.constant 0 : i32
    %dma_wait3A_294 = tpu.memref_slice %arg6[%dma_wait3A_289, %dma_wait3A_292, %dma_wait3A_293] : memref<4x80x128xf32, #tpu.memory_space<vmem>> -> memref<1x80x128xf32, #tpu.memory_space<vmem>>
    %dma_wait3A_295 = tpu.memref_squeeze %dma_wait3A_294 : memref<1x80x128xf32, #tpu.memory_space<vmem>> -> memref<80x128xf32, #tpu.memory_space<vmem>>
    %dma_wait3A_296 = arith.constant 0 : i32
    %dma_wait3A_297 = tpu.memref_slice %arg7[%dma_wait3A_290, %dma_wait3A_291, %dma_wait3A_296] : memref<4x1x80xi32, #tpu.memory_space<vmem>> -> memref<1x1x80xi32, #tpu.memory_space<vmem>>
    %dma_wait3A_298 = tpu.memref_squeeze %dma_wait3A_297 : memref<1x1x80xi32, #tpu.memory_space<vmem>> -> memref<80xi32, #tpu.memory_space<vmem>>
    %dma_wait3A_299 = arith.constant 0 : i32
    %dma_wait3A_300 = arith.constant 0 : i32
    %dma_wait3A_301 = tpu.memref_slice %arg8[%dma_wait3A_299, %dma_wait3A_300] : memref<10000x128xf32, #tpu.memory_space<vmem_shared>> -> memref<10000x128xf32, #tpu.memory_space<vmem_shared>>
    tpu.wait_indirect_dma semaphore(%arg13 : memref<!tpu.dma_semaphore, #tpu.memory_space<semaphore_mem>>) src(%dma_wait3A_295 : memref<80x128xf32, #tpu.memory_space<vmem>>) dst(%dma_wait3A_301 : memref<10000x128xf32, #tpu.memory_space<vmem_shared>>)
    %add3A_302 = arith.constant 320 : i32
    %add3A_303 = arith.addi %mul3A_2, %add3A_302 : i32
    %dma_start3A_304 = arith.constant 0 : i32
    %dma_start3A_305 = arith.constant 0 : i32
    %dma_start3A_306 = arith.constant 0 : i32
    %dma_start3A_307 = tpu.memref_slice %arg6[%dma_start3A_304, %dma_start3A_305, %dma_start3A_306] : memref<4x80x128xf32, #tpu.memory_space<vmem>> -> memref<1x80x128xf32, #tpu.memory_space<vmem>>
    %dma_start3A_308 = tpu.memref_squeeze %dma_start3A_307 : memref<1x80x128xf32, #tpu.memory_space<vmem>> -> memref<80x128xf32, #tpu.memory_space<vmem>>
    %dma_start3A_309 = arith.constant 0 : i32
    %dma_start3A_310 = tpu.memref_slice %arg2[%add3A_303, %dma_start3A_309] : memref<320000x128xf32, #tpu.memory_space<hbm>> -> memref<80x128xf32, #tpu.memory_space<hbm>>
    %dma_start3A_311 = arith.constant 0 : i32
    %dma_start3A_312 = arith.constant 0 : i32
    %dma_start3A_313 = tpu.memref_slice %arg6[%dma_start3A_304, %dma_start3A_311, %dma_start3A_312] : memref<4x80x128xf32, #tpu.memory_space<vmem>> -> memref<1x80x128xf32, #tpu.memory_space<vmem>>
    %dma_start3A_314 = tpu.memref_squeeze %dma_start3A_313 : memref<1x80x128xf32, #tpu.memory_space<vmem>> -> memref<80x128xf32, #tpu.memory_space<vmem>>
    %dma_start3A_315 = arith.constant 0 : i32
    %dma_start3A_316 = tpu.memref_slice %arg2[%add3A_303, %dma_start3A_315] : memref<320000x128xf32, #tpu.memory_space<hbm>> -> memref<80x128xf32, #tpu.memory_space<hbm>>
    tpu.enqueue_dma source(%dma_start3A_316 : memref<80x128xf32, #tpu.memory_space<hbm>>) target(%dma_start3A_314 : memref<80x128xf32, #tpu.memory_space<vmem>>) target_semaphore(%arg9 : memref<!tpu.dma_semaphore, #tpu.memory_space<semaphore_mem>>)
    %mul3A_317 = arith.constant 125 : i32
    %mul3A_318 = arith.muli %add3A, %mul3A_317 : i32
    %add3A_319 = arith.constant 4 : i32
    %add3A_320 = arith.addi %mul3A_318, %add3A_319 : i32
    %dma_start3A_321 = arith.constant 0 : i32
    %dma_start3A_322 = arith.constant 0 : i32
    %dma_start3A_323 = arith.constant 0 : i32
    %dma_start3A_324 = tpu.memref_slice %arg7[%dma_start3A_321, %dma_start3A_322, %dma_start3A_323] : memref<4x1x80xi32, #tpu.memory_space<vmem>> -> memref<1x1x80xi32, #tpu.memory_space<vmem>>
    %dma_start3A_325 = tpu.memref_squeeze %dma_start3A_324 : memref<1x1x80xi32, #tpu.memory_space<vmem>> -> memref<1x80xi32, #tpu.memory_space<vmem>>
    %dma_start3A_326 = arith.constant 0 : i32
    %dma_start3A_327 = arith.constant 0 : i32
    %dma_start3A_328 = tpu.memref_slice %arg3[%add3A_320, %dma_start3A_326, %dma_start3A_327] : memref<4000x1x80xi32, #tpu.memory_space<hbm>> -> memref<1x1x80xi32, #tpu.memory_space<hbm>>
    %dma_start3A_329 = tpu.memref_squeeze %dma_start3A_328 : memref<1x1x80xi32, #tpu.memory_space<hbm>> -> memref<1x80xi32, #tpu.memory_space<hbm>>
    %dma_start3A_330 = arith.constant 0 : i32
    %dma_start3A_331 = arith.constant 0 : i32
    %dma_start3A_332 = tpu.memref_slice %arg7[%dma_start3A_321, %dma_start3A_330, %dma_start3A_331] : memref<4x1x80xi32, #tpu.memory_space<vmem>> -> memref<1x1x80xi32, #tpu.memory_space<vmem>>
    %dma_start3A_333 = tpu.memref_squeeze %dma_start3A_332 : memref<1x1x80xi32, #tpu.memory_space<vmem>> -> memref<1x80xi32, #tpu.memory_space<vmem>>
    %dma_start3A_334 = arith.constant 0 : i32
    %dma_start3A_335 = arith.constant 0 : i32
    %dma_start3A_336 = tpu.memref_slice %arg3[%add3A_320, %dma_start3A_334, %dma_start3A_335] : memref<4000x1x80xi32, #tpu.memory_space<hbm>> -> memref<1x1x80xi32, #tpu.memory_space<hbm>>
    %dma_start3A_337 = tpu.memref_squeeze %dma_start3A_336 : memref<1x1x80xi32, #tpu.memory_space<hbm>> -> memref<1x80xi32, #tpu.memory_space<hbm>>
    tpu.enqueue_dma source(%dma_start3A_337 : memref<1x80xi32, #tpu.memory_space<hbm>>) target(%dma_start3A_333 : memref<1x80xi32, #tpu.memory_space<vmem>>) target_semaphore(%arg9 : memref<!tpu.dma_semaphore, #tpu.memory_space<semaphore_mem>>)
    %dma_wait3A_338 = arith.constant 3 : i32
    %dma_wait3A_339 = arith.constant 0 : i32
    %dma_wait3A_340 = arith.constant 0 : i32
    %dma_wait3A_341 = tpu.memref_slice %arg6[%dma_wait3A_338, %dma_wait3A_339, %dma_wait3A_340] : memref<4x80x128xf32, #tpu.memory_space<vmem>> -> memref<1x80x128xf32, #tpu.memory_space<vmem>>
    %dma_wait3A_342 = tpu.memref_squeeze %dma_wait3A_341 : memref<1x80x128xf32, #tpu.memory_space<vmem>> -> memref<80x128xf32, #tpu.memory_space<vmem>>
    %dma_wait3A_343 = arith.constant 0 : i32
    %dma_wait3A_344 = arith.constant 0 : i32
    %dma_wait3A_345 = tpu.memref_slice %arg2[%dma_wait3A_343, %dma_wait3A_344] : memref<320000x128xf32, #tpu.memory_space<hbm>> -> memref<80x128xf32, #tpu.memory_space<hbm>>
    %dma_wait3A_346 = arith.constant 0 : i32
    %dma_wait3A_347 = arith.constant 0 : i32
    %dma_wait3A_348 = tpu.memref_slice %arg6[%dma_wait3A_338, %dma_wait3A_346, %dma_wait3A_347] : memref<4x80x128xf32, #tpu.memory_space<vmem>> -> memref<1x80x128xf32, #tpu.memory_space<vmem>>
    %dma_wait3A_349 = tpu.memref_squeeze %dma_wait3A_348 : memref<1x80x128xf32, #tpu.memory_space<vmem>> -> memref<80x128xf32, #tpu.memory_space<vmem>>
    %dma_wait3A_350 = arith.constant 0 : i32
    %dma_wait3A_351 = arith.constant 0 : i32
    %dma_wait3A_352 = tpu.memref_slice %arg2[%dma_wait3A_350, %dma_wait3A_351] : memref<320000x128xf32, #tpu.memory_space<hbm>> -> memref<80x128xf32, #tpu.memory_space<hbm>>
    tpu.wait_dma2 semaphore(%arg12 : memref<!tpu.dma_semaphore, #tpu.memory_space<semaphore_mem>>) src(%dma_wait3A_352 : memref<80x128xf32, #tpu.memory_space<hbm>>) dst(%dma_wait3A_349 : memref<80x128xf32, #tpu.memory_space<vmem>>)
    %dma_wait3A_353 = arith.constant 0 : i32
    %dma_wait3A_354 = arith.constant 3 : i32
    %dma_wait3A_355 = arith.constant 0 : i32
    %dma_wait3A_356 = arith.constant 0 : i32
    %dma_wait3A_357 = tpu.memref_slice %arg7[%dma_wait3A_354, %dma_wait3A_355, %dma_wait3A_356] : memref<4x1x80xi32, #tpu.memory_space<vmem>> -> memref<1x1x80xi32, #tpu.memory_space<vmem>>
    %dma_wait3A_358 = tpu.memref_squeeze %dma_wait3A_357 : memref<1x1x80xi32, #tpu.memory_space<vmem>> -> memref<1x80xi32, #tpu.memory_space<vmem>>
    %dma_wait3A_359 = arith.constant 0 : i32
    %dma_wait3A_360 = arith.constant 0 : i32
    %dma_wait3A_361 = tpu.memref_slice %arg3[%dma_wait3A_353, %dma_wait3A_359, %dma_wait3A_360] : memref<4000x1x80xi32, #tpu.memory_space<hbm>> -> memref<1x1x80xi32, #tpu.memory_space<hbm>>
    %dma_wait3A_362 = tpu.memref_squeeze %dma_wait3A_361 : memref<1x1x80xi32, #tpu.memory_space<hbm>> -> memref<1x80xi32, #tpu.memory_space<hbm>>
    %dma_wait3A_363 = arith.constant 0 : i32
    %dma_wait3A_364 = arith.constant 0 : i32
    %dma_wait3A_365 = tpu.memref_slice %arg7[%dma_wait3A_354, %dma_wait3A_363, %dma_wait3A_364] : memref<4x1x80xi32, #tpu.memory_space<vmem>> -> memref<1x1x80xi32, #tpu.memory_space<vmem>>
    %dma_wait3A_366 = tpu.memref_squeeze %dma_wait3A_365 : memref<1x1x80xi32, #tpu.memory_space<vmem>> -> memref<1x80xi32, #tpu.memory_space<vmem>>
    %dma_wait3A_367 = arith.constant 0 : i32
    %dma_wait3A_368 = arith.constant 0 : i32
    %dma_wait3A_369 = tpu.memref_slice %arg3[%dma_wait3A_353, %dma_wait3A_367, %dma_wait3A_368] : memref<4000x1x80xi32, #tpu.memory_space<hbm>> -> memref<1x1x80xi32, #tpu.memory_space<hbm>>
    %dma_wait3A_370 = tpu.memref_squeeze %dma_wait3A_369 : memref<1x1x80xi32, #tpu.memory_space<hbm>> -> memref<1x80xi32, #tpu.memory_space<hbm>>
    tpu.wait_dma2 semaphore(%arg12 : memref<!tpu.dma_semaphore, #tpu.memory_space<semaphore_mem>>) src(%dma_wait3A_370 : memref<1x80xi32, #tpu.memory_space<hbm>>) dst(%dma_wait3A_366 : memref<1x80xi32, #tpu.memory_space<vmem>>)
    %dma_start3A_371 = arith.constant 3 : i32
    %dma_start3A_372 = arith.constant 3 : i32
    %dma_start3A_373 = arith.constant 0 : i32
    %dma_start3A_374 = arith.constant 0 : i32
    %dma_start3A_375 = arith.constant 0 : i32
    %dma_start3A_376 = tpu.memref_slice %arg6[%dma_start3A_371, %dma_start3A_374, %dma_start3A_375] : memref<4x80x128xf32, #tpu.memory_space<vmem>> -> memref<1x80x128xf32, #tpu.memory_space<vmem>>
    %dma_start3A_377 = tpu.memref_squeeze %dma_start3A_376 : memref<1x80x128xf32, #tpu.memory_space<vmem>> -> memref<80x128xf32, #tpu.memory_space<vmem>>
    %dma_start3A_378 = arith.constant 0 : i32
    %dma_start3A_379 = tpu.memref_slice %arg7[%dma_start3A_372, %dma_start3A_373, %dma_start3A_378] : memref<4x1x80xi32, #tpu.memory_space<vmem>> -> memref<1x1x80xi32, #tpu.memory_space<vmem>>
    %dma_start3A_380 = tpu.memref_squeeze %dma_start3A_379 : memref<1x1x80xi32, #tpu.memory_space<vmem>> -> memref<80xi32, #tpu.memory_space<vmem>>
    %dma_start3A_381 = arith.constant 0 : i32
    %dma_start3A_382 = arith.constant 0 : i32
    %dma_start3A_383 = tpu.memref_slice %arg8[%dma_start3A_381, %dma_start3A_382] : memref<10000x128xf32, #tpu.memory_space<vmem_shared>> -> memref<10000x128xf32, #tpu.memory_space<vmem_shared>>
    tpu.enqueue_indirect_dma source(%dma_start3A_377 : memref<80x128xf32, #tpu.memory_space<vmem>>) target(%dma_start3A_383 : memref<10000x128xf32, #tpu.memory_space<vmem_shared>>) offsets(%dma_start3A_380 : memref<80xi32, #tpu.memory_space<vmem>>) semaphore(%arg16 : memref<!tpu.dma_semaphore, #tpu.memory_space<semaphore_mem>>) {add = true}
    %dma_wait3A_384 = arith.constant 1 : i32
    %dma_wait3A_385 = arith.constant 1 : i32
    %dma_wait3A_386 = arith.constant 0 : i32
    %dma_wait3A_387 = arith.constant 0 : i32
    %dma_wait3A_388 = arith.constant 0 : i32
    %dma_wait3A_389 = tpu.memref_slice %arg6[%dma_wait3A_384, %dma_wait3A_387, %dma_wait3A_388] : memref<4x80x128xf32, #tpu.memory_space<vmem>> -> memref<1x80x128xf32, #tpu.memory_space<vmem>>
    %dma_wait3A_390 = tpu.memref_squeeze %dma_wait3A_389 : memref<1x80x128xf32, #tpu.memory_space<vmem>> -> memref<80x128xf32, #tpu.memory_space<vmem>>
    %dma_wait3A_391 = arith.constant 0 : i32
    %dma_wait3A_392 = tpu.memref_slice %arg7[%dma_wait3A_385, %dma_wait3A_386, %dma_wait3A_391] : memref<4x1x80xi32, #tpu.memory_space<vmem>> -> memref<1x1x80xi32, #tpu.memory_space<vmem>>
    %dma_wait3A_393 = tpu.memref_squeeze %dma_wait3A_392 : memref<1x1x80xi32, #tpu.memory_space<vmem>> -> memref<80xi32, #tpu.memory_space<vmem>>
    %dma_wait3A_394 = arith.constant 0 : i32
    %dma_wait3A_395 = arith.constant 0 : i32
    %dma_wait3A_396 = tpu.memref_slice %arg8[%dma_wait3A_394, %dma_wait3A_395] : memref<10000x128xf32, #tpu.memory_space<vmem_shared>> -> memref<10000x128xf32, #tpu.memory_space<vmem_shared>>
    tpu.wait_indirect_dma semaphore(%arg14 : memref<!tpu.dma_semaphore, #tpu.memory_space<semaphore_mem>>) src(%dma_wait3A_390 : memref<80x128xf32, #tpu.memory_space<vmem>>) dst(%dma_wait3A_396 : memref<10000x128xf32, #tpu.memory_space<vmem_shared>>)
    %add3A_397 = arith.constant 400 : i32
    %add3A_398 = arith.addi %mul3A_2, %add3A_397 : i32
    %dma_start3A_399 = arith.constant 1 : i32
    %dma_start3A_400 = arith.constant 0 : i32
    %dma_start3A_401 = arith.constant 0 : i32
    %dma_start3A_402 = tpu.memref_slice %arg6[%dma_start3A_399, %dma_start3A_400, %dma_start3A_401] : memref<4x80x128xf32, #tpu.memory_space<vmem>> -> memref<1x80x128xf32, #tpu.memory_space<vmem>>
    %dma_start3A_403 = tpu.memref_squeeze %dma_start3A_402 : memref<1x80x128xf32, #tpu.memory_space<vmem>> -> memref<80x128xf32, #tpu.memory_space<vmem>>
    %dma_start3A_404 = arith.constant 0 : i32
    %dma_start3A_405 = tpu.memref_slice %arg2[%add3A_398, %dma_start3A_404] : memref<320000x128xf32, #tpu.memory_space<hbm>> -> memref<80x128xf32, #tpu.memory_space<hbm>>
    %dma_start3A_406 = arith.constant 0 : i32
    %dma_start3A_407 = arith.constant 0 : i32
    %dma_start3A_408 = tpu.memref_slice %arg6[%dma_start3A_399, %dma_start3A_406, %dma_start3A_407] : memref<4x80x128xf32, #tpu.memory_space<vmem>> -> memref<1x80x128xf32, #tpu.memory_space<vmem>>
    %dma_start3A_409 = tpu.memref_squeeze %dma_start3A_408 : memref<1x80x128xf32, #tpu.memory_space<vmem>> -> memref<80x128xf32, #tpu.memory_space<vmem>>
    %dma_start3A_410 = arith.constant 0 : i32
    %dma_start3A_411 = tpu.memref_slice %arg2[%add3A_398, %dma_start3A_410] : memref<320000x128xf32, #tpu.memory_space<hbm>> -> memref<80x128xf32, #tpu.memory_space<hbm>>
    tpu.enqueue_dma source(%dma_start3A_411 : memref<80x128xf32, #tpu.memory_space<hbm>>) target(%dma_start3A_409 : memref<80x128xf32, #tpu.memory_space<vmem>>) target_semaphore(%arg10 : memref<!tpu.dma_semaphore, #tpu.memory_space<semaphore_mem>>)
    %mul3A_412 = arith.constant 125 : i32
    %mul3A_413 = arith.muli %add3A, %mul3A_412 : i32
    %add3A_414 = arith.constant 5 : i32
    %add3A_415 = arith.addi %mul3A_413, %add3A_414 : i32
    %dma_start3A_416 = arith.constant 1 : i32
    %dma_start3A_417 = arith.constant 0 : i32
    %dma_start3A_418 = arith.constant 0 : i32
    %dma_start3A_419 = tpu.memref_slice %arg7[%dma_start3A_416, %dma_start3A_417, %dma_start3A_418] : memref<4x1x80xi32, #tpu.memory_space<vmem>> -> memref<1x1x80xi32, #tpu.memory_space<vmem>>
    %dma_start3A_420 = tpu.memref_squeeze %dma_start3A_419 : memref<1x1x80xi32, #tpu.memory_space<vmem>> -> memref<1x80xi32, #tpu.memory_space<vmem>>
    %dma_start3A_421 = arith.constant 0 : i32
    %dma_start3A_422 = arith.constant 0 : i32
    %dma_start3A_423 = tpu.memref_slice %arg3[%add3A_415, %dma_start3A_421, %dma_start3A_422] : memref<4000x1x80xi32, #tpu.memory_space<hbm>> -> memref<1x1x80xi32, #tpu.memory_space<hbm>>
    %dma_start3A_424 = tpu.memref_squeeze %dma_start3A_423 : memref<1x1x80xi32, #tpu.memory_space<hbm>> -> memref<1x80xi32, #tpu.memory_space<hbm>>
    %dma_start3A_425 = arith.constant 0 : i32
    %dma_start3A_426 = arith.constant 0 : i32
    %dma_start3A_427 = tpu.memref_slice %arg7[%dma_start3A_416, %dma_start3A_425, %dma_start3A_426] : memref<4x1x80xi32, #tpu.memory_space<vmem>> -> memref<1x1x80xi32, #tpu.memory_space<vmem>>
    %dma_start3A_428 = tpu.memref_squeeze %dma_start3A_427 : memref<1x1x80xi32, #tpu.memory_space<vmem>> -> memref<1x80xi32, #tpu.memory_space<vmem>>
    %dma_start3A_429 = arith.constant 0 : i32
    %dma_start3A_430 = arith.constant 0 : i32
    %dma_start3A_431 = tpu.memref_slice %arg3[%add3A_415, %dma_start3A_429, %dma_start3A_430] : memref<4000x1x80xi32, #tpu.memory_space<hbm>> -> memref<1x1x80xi32, #tpu.memory_space<hbm>>
    %dma_start3A_432 = tpu.memref_squeeze %dma_start3A_431 : memref<1x1x80xi32, #tpu.memory_space<hbm>> -> memref<1x80xi32, #tpu.memory_space<hbm>>
    tpu.enqueue_dma source(%dma_start3A_432 : memref<1x80xi32, #tpu.memory_space<hbm>>) target(%dma_start3A_428 : memref<1x80xi32, #tpu.memory_space<vmem>>) target_semaphore(%arg10 : memref<!tpu.dma_semaphore, #tpu.memory_space<semaphore_mem>>)
    %scan3A = arith.constant 0 : i32
    %scan3A_433 = arith.constant 1 : i32
    %scan3A_434 = arith.constant 29 : i32
    %scan3A_435 = arith.addi %scan3A_433, %scan3A_434 : i32
    %scan3A_436 = arith.constant 1 : i32
    scf.for %scan3A_878 = %scan3A_433 to %scan3A_435 step %scan3A_436  : i32 {
      %mul3A_879 = arith.constant 4 : i32
      %mul3A_880 = arith.muli %scan3A_878, %mul3A_879 : i32
      %dma_wait3A_881 = arith.constant 0 : i32
      %dma_wait3A_882 = arith.constant 0 : i32
      %dma_wait3A_883 = arith.constant 0 : i32
      %dma_wait3A_884 = tpu.memref_slice %arg6[%dma_wait3A_881, %dma_wait3A_882, %dma_wait3A_883] : memref<4x80x128xf32, #tpu.memory_space<vmem>> -> memref<1x80x128xf32, #tpu.memory_space<vmem>>
      %dma_wait3A_885 = tpu.memref_squeeze %dma_wait3A_884 : memref<1x80x128xf32, #tpu.memory_space<vmem>> -> memref<80x128xf32, #tpu.memory_space<vmem>>
      %dma_wait3A_886 = arith.constant 0 : i32
      %dma_wait3A_887 = arith.constant 0 : i32
      %dma_wait3A_888 = tpu.memref_slice %arg2[%dma_wait3A_886, %dma_wait3A_887] : memref<320000x128xf32, #tpu.memory_space<hbm>> -> memref<80x128xf32, #tpu.memory_space<hbm>>
      %dma_wait3A_889 = arith.constant 0 : i32
      %dma_wait3A_890 = arith.constant 0 : i32
      %dma_wait3A_891 = tpu.memref_slice %arg6[%dma_wait3A_881, %dma_wait3A_889, %dma_wait3A_890] : memref<4x80x128xf32, #tpu.memory_space<vmem>> -> memref<1x80x128xf32, #tpu.memory_space<vmem>>
      %dma_wait3A_892 = tpu.memref_squeeze %dma_wait3A_891 : memref<1x80x128xf32, #tpu.memory_space<vmem>> -> memref<80x128xf32, #tpu.memory_space<vmem>>
      %dma_wait3A_893 = arith.constant 0 : i32
      %dma_wait3A_894 = arith.constant 0 : i32
      %dma_wait3A_895 = tpu.memref_slice %arg2[%dma_wait3A_893, %dma_wait3A_894] : memref<320000x128xf32, #tpu.memory_space<hbm>> -> memref<80x128xf32, #tpu.memory_space<hbm>>
      tpu.wait_dma2 semaphore(%arg9 : memref<!tpu.dma_semaphore, #tpu.memory_space<semaphore_mem>>) src(%dma_wait3A_895 : memref<80x128xf32, #tpu.memory_space<hbm>>) dst(%dma_wait3A_892 : memref<80x128xf32, #tpu.memory_space<vmem>>)
      %dma_wait3A_896 = arith.constant 0 : i32
      %dma_wait3A_897 = arith.constant 0 : i32
      %dma_wait3A_898 = arith.constant 0 : i32
      %dma_wait3A_899 = arith.constant 0 : i32
      %dma_wait3A_900 = tpu.memref_slice %arg7[%dma_wait3A_897, %dma_wait3A_898, %dma_wait3A_899] : memref<4x1x80xi32, #tpu.memory_space<vmem>> -> memref<1x1x80xi32, #tpu.memory_space<vmem>>
      %dma_wait3A_901 = tpu.memref_squeeze %dma_wait3A_900 : memref<1x1x80xi32, #tpu.memory_space<vmem>> -> memref<1x80xi32, #tpu.memory_space<vmem>>
      %dma_wait3A_902 = arith.constant 0 : i32
      %dma_wait3A_903 = arith.constant 0 : i32
      %dma_wait3A_904 = tpu.memref_slice %arg3[%dma_wait3A_896, %dma_wait3A_902, %dma_wait3A_903] : memref<4000x1x80xi32, #tpu.memory_space<hbm>> -> memref<1x1x80xi32, #tpu.memory_space<hbm>>
      %dma_wait3A_905 = tpu.memref_squeeze %dma_wait3A_904 : memref<1x1x80xi32, #tpu.memory_space<hbm>> -> memref<1x80xi32, #tpu.memory_space<hbm>>
      %dma_wait3A_906 = arith.constant 0 : i32
      %dma_wait3A_907 = arith.constant 0 : i32
      %dma_wait3A_908 = tpu.memref_slice %arg7[%dma_wait3A_897, %dma_wait3A_906, %dma_wait3A_907] : memref<4x1x80xi32, #tpu.memory_space<vmem>> -> memref<1x1x80xi32, #tpu.memory_space<vmem>>
      %dma_wait3A_909 = tpu.memref_squeeze %dma_wait3A_908 : memref<1x1x80xi32, #tpu.memory_space<vmem>> -> memref<1x80xi32, #tpu.memory_space<vmem>>
      %dma_wait3A_910 = arith.constant 0 : i32
      %dma_wait3A_911 = arith.constant 0 : i32
      %dma_wait3A_912 = tpu.memref_slice %arg3[%dma_wait3A_896, %dma_wait3A_910, %dma_wait3A_911] : memref<4000x1x80xi32, #tpu.memory_space<hbm>> -> memref<1x1x80xi32, #tpu.memory_space<hbm>>
      %dma_wait3A_913 = tpu.memref_squeeze %dma_wait3A_912 : memref<1x1x80xi32, #tpu.memory_space<hbm>> -> memref<1x80xi32, #tpu.memory_space<hbm>>
      tpu.wait_dma2 semaphore(%arg9 : memref<!tpu.dma_semaphore, #tpu.memory_space<semaphore_mem>>) src(%dma_wait3A_913 : memref<1x80xi32, #tpu.memory_space<hbm>>) dst(%dma_wait3A_909 : memref<1x80xi32, #tpu.memory_space<vmem>>)
      %dma_start3A_914 = arith.constant 0 : i32
      %dma_start3A_915 = arith.constant 0 : i32
      %dma_start3A_916 = arith.constant 0 : i32
      %dma_start3A_917 = arith.constant 0 : i32
      %dma_start3A_918 = arith.constant 0 : i32
      %dma_start3A_919 = tpu.memref_slice %arg6[%dma_start3A_914, %dma_start3A_917, %dma_start3A_918] : memref<4x80x128xf32, #tpu.memory_space<vmem>> -> memref<1x80x128xf32, #tpu.memory_space<vmem>>
      %dma_start3A_920 = tpu.memref_squeeze %dma_start3A_919 : memref<1x80x128xf32, #tpu.memory_space<vmem>> -> memref<80x128xf32, #tpu.memory_space<vmem>>
      %dma_start3A_921 = arith.constant 0 : i32
      %dma_start3A_922 = tpu.memref_slice %arg7[%dma_start3A_915, %dma_start3A_916, %dma_start3A_921] : memref<4x1x80xi32, #tpu.memory_space<vmem>> -> memref<1x1x80xi32, #tpu.memory_space<vmem>>
      %dma_start3A_923 = tpu.memref_squeeze %dma_start3A_922 : memref<1x1x80xi32, #tpu.memory_space<vmem>> -> memref<80xi32, #tpu.memory_space<vmem>>
      %dma_start3A_924 = arith.constant 0 : i32
      %dma_start3A_925 = arith.constant 0 : i32
      %dma_start3A_926 = tpu.memref_slice %arg8[%dma_start3A_924, %dma_start3A_925] : memref<10000x128xf32, #tpu.memory_space<vmem_shared>> -> memref<10000x128xf32, #tpu.memory_space<vmem_shared>>
      tpu.enqueue_indirect_dma source(%dma_start3A_920 : memref<80x128xf32, #tpu.memory_space<vmem>>) target(%dma_start3A_926 : memref<10000x128xf32, #tpu.memory_space<vmem_shared>>) offsets(%dma_start3A_923 : memref<80xi32, #tpu.memory_space<vmem>>) semaphore(%arg13 : memref<!tpu.dma_semaphore, #tpu.memory_space<semaphore_mem>>) {add = true}
      %dma_wait3A_927 = arith.constant 2 : i32
      %dma_wait3A_928 = arith.constant 2 : i32
      %dma_wait3A_929 = arith.constant 0 : i32
      %dma_wait3A_930 = arith.constant 0 : i32
      %dma_wait3A_931 = arith.constant 0 : i32
      %dma_wait3A_932 = tpu.memref_slice %arg6[%dma_wait3A_927, %dma_wait3A_930, %dma_wait3A_931] : memref<4x80x128xf32, #tpu.memory_space<vmem>> -> memref<1x80x128xf32, #tpu.memory_space<vmem>>
      %dma_wait3A_933 = tpu.memref_squeeze %dma_wait3A_932 : memref<1x80x128xf32, #tpu.memory_space<vmem>> -> memref<80x128xf32, #tpu.memory_space<vmem>>
      %dma_wait3A_934 = arith.constant 0 : i32
      %dma_wait3A_935 = tpu.memref_slice %arg7[%dma_wait3A_928, %dma_wait3A_929, %dma_wait3A_934] : memref<4x1x80xi32, #tpu.memory_space<vmem>> -> memref<1x1x80xi32, #tpu.memory_space<vmem>>
      %dma_wait3A_936 = tpu.memref_squeeze %dma_wait3A_935 : memref<1x1x80xi32, #tpu.memory_space<vmem>> -> memref<80xi32, #tpu.memory_space<vmem>>
      %dma_wait3A_937 = arith.constant 0 : i32
      %dma_wait3A_938 = arith.constant 0 : i32
      %dma_wait3A_939 = tpu.memref_slice %arg8[%dma_wait3A_937, %dma_wait3A_938] : memref<10000x128xf32, #tpu.memory_space<vmem_shared>> -> memref<10000x128xf32, #tpu.memory_space<vmem_shared>>
      tpu.wait_indirect_dma semaphore(%arg15 : memref<!tpu.dma_semaphore, #tpu.memory_space<semaphore_mem>>) src(%dma_wait3A_933 : memref<80x128xf32, #tpu.memory_space<vmem>>) dst(%dma_wait3A_939 : memref<10000x128xf32, #tpu.memory_space<vmem_shared>>)
      %add3A_940 = arith.constant 2 : i32
      %add3A_941 = arith.addi %mul3A_880, %add3A_940 : i32
      %mul3A_942 = arith.constant 80 : i32
      %mul3A_943 = arith.muli %add3A_941, %mul3A_942 : i32
      %add3A_944 = arith.addi %mul3A_2, %mul3A_943 : i32
      %dma_start3A_945 = arith.constant 2 : i32
      %dma_start3A_946 = arith.constant 0 : i32
      %dma_start3A_947 = arith.constant 0 : i32
      %dma_start3A_948 = tpu.memref_slice %arg6[%dma_start3A_945, %dma_start3A_946, %dma_start3A_947] : memref<4x80x128xf32, #tpu.memory_space<vmem>> -> memref<1x80x128xf32, #tpu.memory_space<vmem>>
      %dma_start3A_949 = tpu.memref_squeeze %dma_start3A_948 : memref<1x80x128xf32, #tpu.memory_space<vmem>> -> memref<80x128xf32, #tpu.memory_space<vmem>>
      %dma_start3A_950 = arith.constant 0 : i32
      %dma_start3A_951 = tpu.memref_slice %arg2[%add3A_944, %dma_start3A_950] : memref<320000x128xf32, #tpu.memory_space<hbm>> -> memref<80x128xf32, #tpu.memory_space<hbm>>
      %dma_start3A_952 = arith.constant 0 : i32
      %dma_start3A_953 = arith.constant 0 : i32
      %dma_start3A_954 = tpu.memref_slice %arg6[%dma_start3A_945, %dma_start3A_952, %dma_start3A_953] : memref<4x80x128xf32, #tpu.memory_space<vmem>> -> memref<1x80x128xf32, #tpu.memory_space<vmem>>
      %dma_start3A_955 = tpu.memref_squeeze %dma_start3A_954 : memref<1x80x128xf32, #tpu.memory_space<vmem>> -> memref<80x128xf32, #tpu.memory_space<vmem>>
      %dma_start3A_956 = arith.constant 0 : i32
      %dma_start3A_957 = tpu.memref_slice %arg2[%add3A_944, %dma_start3A_956] : memref<320000x128xf32, #tpu.memory_space<hbm>> -> memref<80x128xf32, #tpu.memory_space<hbm>>
      tpu.enqueue_dma source(%dma_start3A_957 : memref<80x128xf32, #tpu.memory_space<hbm>>) target(%dma_start3A_955 : memref<80x128xf32, #tpu.memory_space<vmem>>) target_semaphore(%arg11 : memref<!tpu.dma_semaphore, #tpu.memory_space<semaphore_mem>>)
      %mul3A_958 = arith.constant 125 : i32
      %mul3A_959 = arith.muli %add3A, %mul3A_958 : i32
      %add3A_960 = arith.addi %mul3A_959, %add3A_941 : i32
      %dma_start3A_961 = arith.constant 2 : i32
      %dma_start3A_962 = arith.constant 0 : i32
      %dma_start3A_963 = arith.constant 0 : i32
      %dma_start3A_964 = tpu.memref_slice %arg7[%dma_start3A_961, %dma_start3A_962, %dma_start3A_963] : memref<4x1x80xi32, #tpu.memory_space<vmem>> -> memref<1x1x80xi32, #tpu.memory_space<vmem>>
      %dma_start3A_965 = tpu.memref_squeeze %dma_start3A_964 : memref<1x1x80xi32, #tpu.memory_space<vmem>> -> memref<1x80xi32, #tpu.memory_space<vmem>>
      %dma_start3A_966 = arith.constant 0 : i32
      %dma_start3A_967 = arith.constant 0 : i32
      %dma_start3A_968 = tpu.memref_slice %arg3[%add3A_960, %dma_start3A_966, %dma_start3A_967] : memref<4000x1x80xi32, #tpu.memory_space<hbm>> -> memref<1x1x80xi32, #tpu.memory_space<hbm>>
      %dma_start3A_969 = tpu.memref_squeeze %dma_start3A_968 : memref<1x1x80xi32, #tpu.memory_space<hbm>> -> memref<1x80xi32, #tpu.memory_space<hbm>>
      %dma_start3A_970 = arith.constant 0 : i32
      %dma_start3A_971 = arith.constant 0 : i32
      %dma_start3A_972 = tpu.memref_slice %arg7[%dma_start3A_961, %dma_start3A_970, %dma_start3A_971] : memref<4x1x80xi32, #tpu.memory_space<vmem>> -> memref<1x1x80xi32, #tpu.memory_space<vmem>>
      %dma_start3A_973 = tpu.memref_squeeze %dma_start3A_972 : memref<1x1x80xi32, #tpu.memory_space<vmem>> -> memref<1x80xi32, #tpu.memory_space<vmem>>
      %dma_start3A_974 = arith.constant 0 : i32
      %dma_start3A_975 = arith.constant 0 : i32
      %dma_start3A_976 = tpu.memref_slice %arg3[%add3A_960, %dma_start3A_974, %dma_start3A_975] : memref<4000x1x80xi32, #tpu.memory_space<hbm>> -> memref<1x1x80xi32, #tpu.memory_space<hbm>>
      %dma_start3A_977 = tpu.memref_squeeze %dma_start3A_976 : memref<1x1x80xi32, #tpu.memory_space<hbm>> -> memref<1x80xi32, #tpu.memory_space<hbm>>
      tpu.enqueue_dma source(%dma_start3A_977 : memref<1x80xi32, #tpu.memory_space<hbm>>) target(%dma_start3A_973 : memref<1x80xi32, #tpu.memory_space<vmem>>) target_semaphore(%arg11 : memref<!tpu.dma_semaphore, #tpu.memory_space<semaphore_mem>>)
      %dma_wait3A_978 = arith.constant 1 : i32
      %dma_wait3A_979 = arith.constant 0 : i32
      %dma_wait3A_980 = arith.constant 0 : i32
      %dma_wait3A_981 = tpu.memref_slice %arg6[%dma_wait3A_978, %dma_wait3A_979, %dma_wait3A_980] : memref<4x80x128xf32, #tpu.memory_space<vmem>> -> memref<1x80x128xf32, #tpu.memory_space<vmem>>
      %dma_wait3A_982 = tpu.memref_squeeze %dma_wait3A_981 : memref<1x80x128xf32, #tpu.memory_space<vmem>> -> memref<80x128xf32, #tpu.memory_space<vmem>>
      %dma_wait3A_983 = arith.constant 0 : i32
      %dma_wait3A_984 = arith.constant 0 : i32
      %dma_wait3A_985 = tpu.memref_slice %arg2[%dma_wait3A_983, %dma_wait3A_984] : memref<320000x128xf32, #tpu.memory_space<hbm>> -> memref<80x128xf32, #tpu.memory_space<hbm>>
      %dma_wait3A_986 = arith.constant 0 : i32
      %dma_wait3A_987 = arith.constant 0 : i32
      %dma_wait3A_988 = tpu.memref_slice %arg6[%dma_wait3A_978, %dma_wait3A_986, %dma_wait3A_987] : memref<4x80x128xf32, #tpu.memory_space<vmem>> -> memref<1x80x128xf32, #tpu.memory_space<vmem>>
      %dma_wait3A_989 = tpu.memref_squeeze %dma_wait3A_988 : memref<1x80x128xf32, #tpu.memory_space<vmem>> -> memref<80x128xf32, #tpu.memory_space<vmem>>
      %dma_wait3A_990 = arith.constant 0 : i32
      %dma_wait3A_991 = arith.constant 0 : i32
      %dma_wait3A_992 = tpu.memref_slice %arg2[%dma_wait3A_990, %dma_wait3A_991] : memref<320000x128xf32, #tpu.memory_space<hbm>> -> memref<80x128xf32, #tpu.memory_space<hbm>>
      tpu.wait_dma2 semaphore(%arg10 : memref<!tpu.dma_semaphore, #tpu.memory_space<semaphore_mem>>) src(%dma_wait3A_992 : memref<80x128xf32, #tpu.memory_space<hbm>>) dst(%dma_wait3A_989 : memref<80x128xf32, #tpu.memory_space<vmem>>)
      %dma_wait3A_993 = arith.constant 0 : i32
      %dma_wait3A_994 = arith.constant 1 : i32
      %dma_wait3A_995 = arith.constant 0 : i32
      %dma_wait3A_996 = arith.constant 0 : i32
      %dma_wait3A_997 = tpu.memref_slice %arg7[%dma_wait3A_994, %dma_wait3A_995, %dma_wait3A_996] : memref<4x1x80xi32, #tpu.memory_space<vmem>> -> memref<1x1x80xi32, #tpu.memory_space<vmem>>
      %dma_wait3A_998 = tpu.memref_squeeze %dma_wait3A_997 : memref<1x1x80xi32, #tpu.memory_space<vmem>> -> memref<1x80xi32, #tpu.memory_space<vmem>>
      %dma_wait3A_999 = arith.constant 0 : i32
      %dma_wait3A_1000 = arith.constant 0 : i32
      %dma_wait3A_1001 = tpu.memref_slice %arg3[%dma_wait3A_993, %dma_wait3A_999, %dma_wait3A_1000] : memref<4000x1x80xi32, #tpu.memory_space<hbm>> -> memref<1x1x80xi32, #tpu.memory_space<hbm>>
      %dma_wait3A_1002 = tpu.memref_squeeze %dma_wait3A_1001 : memref<1x1x80xi32, #tpu.memory_space<hbm>> -> memref<1x80xi32, #tpu.memory_space<hbm>>
      %dma_wait3A_1003 = arith.constant 0 : i32
      %dma_wait3A_1004 = arith.constant 0 : i32
      %dma_wait3A_1005 = tpu.memref_slice %arg7[%dma_wait3A_994, %dma_wait3A_1003, %dma_wait3A_1004] : memref<4x1x80xi32, #tpu.memory_space<vmem>> -> memref<1x1x80xi32, #tpu.memory_space<vmem>>
      %dma_wait3A_1006 = tpu.memref_squeeze %dma_wait3A_1005 : memref<1x1x80xi32, #tpu.memory_space<vmem>> -> memref<1x80xi32, #tpu.memory_space<vmem>>
      %dma_wait3A_1007 = arith.constant 0 : i32
      %dma_wait3A_1008 = arith.constant 0 : i32
      %dma_wait3A_1009 = tpu.memref_slice %arg3[%dma_wait3A_993, %dma_wait3A_1007, %dma_wait3A_1008] : memref<4000x1x80xi32, #tpu.memory_space<hbm>> -> memref<1x1x80xi32, #tpu.memory_space<hbm>>
      %dma_wait3A_1010 = tpu.memref_squeeze %dma_wait3A_1009 : memref<1x1x80xi32, #tpu.memory_space<hbm>> -> memref<1x80xi32, #tpu.memory_space<hbm>>
      tpu.wait_dma2 semaphore(%arg10 : memref<!tpu.dma_semaphore, #tpu.memory_space<semaphore_mem>>) src(%dma_wait3A_1010 : memref<1x80xi32, #tpu.memory_space<hbm>>) dst(%dma_wait3A_1006 : memref<1x80xi32, #tpu.memory_space<vmem>>)
      %dma_start3A_1011 = arith.constant 1 : i32
      %dma_start3A_1012 = arith.constant 1 : i32
      %dma_start3A_1013 = arith.constant 0 : i32
      %dma_start3A_1014 = arith.constant 0 : i32
      %dma_start3A_1015 = arith.constant 0 : i32
      %dma_start3A_1016 = tpu.memref_slice %arg6[%dma_start3A_1011, %dma_start3A_1014, %dma_start3A_1015] : memref<4x80x128xf32, #tpu.memory_space<vmem>> -> memref<1x80x128xf32, #tpu.memory_space<vmem>>
      %dma_start3A_1017 = tpu.memref_squeeze %dma_start3A_1016 : memref<1x80x128xf32, #tpu.memory_space<vmem>> -> memref<80x128xf32, #tpu.memory_space<vmem>>
      %dma_start3A_1018 = arith.constant 0 : i32
      %dma_start3A_1019 = tpu.memref_slice %arg7[%dma_start3A_1012, %dma_start3A_1013, %dma_start3A_1018] : memref<4x1x80xi32, #tpu.memory_space<vmem>> -> memref<1x1x80xi32, #tpu.memory_space<vmem>>
      %dma_start3A_1020 = tpu.memref_squeeze %dma_start3A_1019 : memref<1x1x80xi32, #tpu.memory_space<vmem>> -> memref<80xi32, #tpu.memory_space<vmem>>
      %dma_start3A_1021 = arith.constant 0 : i32
      %dma_start3A_1022 = arith.constant 0 : i32
      %dma_start3A_1023 = tpu.memref_slice %arg8[%dma_start3A_1021, %dma_start3A_1022] : memref<10000x128xf32, #tpu.memory_space<vmem_shared>> -> memref<10000x128xf32, #tpu.memory_space<vmem_shared>>
      tpu.enqueue_indirect_dma source(%dma_start3A_1017 : memref<80x128xf32, #tpu.memory_space<vmem>>) target(%dma_start3A_1023 : memref<10000x128xf32, #tpu.memory_space<vmem_shared>>) offsets(%dma_start3A_1020 : memref<80xi32, #tpu.memory_space<vmem>>) semaphore(%arg14 : memref<!tpu.dma_semaphore, #tpu.memory_space<semaphore_mem>>) {add = true}
      %dma_wait3A_1024 = arith.constant 3 : i32
      %dma_wait3A_1025 = arith.constant 3 : i32
      %dma_wait3A_1026 = arith.constant 0 : i32
      %dma_wait3A_1027 = arith.constant 0 : i32
      %dma_wait3A_1028 = arith.constant 0 : i32
      %dma_wait3A_1029 = tpu.memref_slice %arg6[%dma_wait3A_1024, %dma_wait3A_1027, %dma_wait3A_1028] : memref<4x80x128xf32, #tpu.memory_space<vmem>> -> memref<1x80x128xf32, #tpu.memory_space<vmem>>
      %dma_wait3A_1030 = tpu.memref_squeeze %dma_wait3A_1029 : memref<1x80x128xf32, #tpu.memory_space<vmem>> -> memref<80x128xf32, #tpu.memory_space<vmem>>
      %dma_wait3A_1031 = arith.constant 0 : i32
      %dma_wait3A_1032 = tpu.memref_slice %arg7[%dma_wait3A_1025, %dma_wait3A_1026, %dma_wait3A_1031] : memref<4x1x80xi32, #tpu.memory_space<vmem>> -> memref<1x1x80xi32, #tpu.memory_space<vmem>>
      %dma_wait3A_1033 = tpu.memref_squeeze %dma_wait3A_1032 : memref<1x1x80xi32, #tpu.memory_space<vmem>> -> memref<80xi32, #tpu.memory_space<vmem>>
      %dma_wait3A_1034 = arith.constant 0 : i32
      %dma_wait3A_1035 = arith.constant 0 : i32
      %dma_wait3A_1036 = tpu.memref_slice %arg8[%dma_wait3A_1034, %dma_wait3A_1035] : memref<10000x128xf32, #tpu.memory_space<vmem_shared>> -> memref<10000x128xf32, #tpu.memory_space<vmem_shared>>
      tpu.wait_indirect_dma semaphore(%arg16 : memref<!tpu.dma_semaphore, #tpu.memory_space<semaphore_mem>>) src(%dma_wait3A_1030 : memref<80x128xf32, #tpu.memory_space<vmem>>) dst(%dma_wait3A_1036 : memref<10000x128xf32, #tpu.memory_space<vmem_shared>>)
      %add3A_1037 = arith.constant 3 : i32
      %add3A_1038 = arith.addi %mul3A_880, %add3A_1037 : i32
      %mul3A_1039 = arith.constant 80 : i32
      %mul3A_1040 = arith.muli %add3A_1038, %mul3A_1039 : i32
      %add3A_1041 = arith.addi %mul3A_2, %mul3A_1040 : i32
      %dma_start3A_1042 = arith.constant 3 : i32
      %dma_start3A_1043 = arith.constant 0 : i32
      %dma_start3A_1044 = arith.constant 0 : i32
      %dma_start3A_1045 = tpu.memref_slice %arg6[%dma_start3A_1042, %dma_start3A_1043, %dma_start3A_1044] : memref<4x80x128xf32, #tpu.memory_space<vmem>> -> memref<1x80x128xf32, #tpu.memory_space<vmem>>
      %dma_start3A_1046 = tpu.memref_squeeze %dma_start3A_1045 : memref<1x80x128xf32, #tpu.memory_space<vmem>> -> memref<80x128xf32, #tpu.memory_space<vmem>>
      %dma_start3A_1047 = arith.constant 0 : i32
      %dma_start3A_1048 = tpu.memref_slice %arg2[%add3A_1041, %dma_start3A_1047] : memref<320000x128xf32, #tpu.memory_space<hbm>> -> memref<80x128xf32, #tpu.memory_space<hbm>>
      %dma_start3A_1049 = arith.constant 0 : i32
      %dma_start3A_1050 = arith.constant 0 : i32
      %dma_start3A_1051 = tpu.memref_slice %arg6[%dma_start3A_1042, %dma_start3A_1049, %dma_start3A_1050] : memref<4x80x128xf32, #tpu.memory_space<vmem>> -> memref<1x80x128xf32, #tpu.memory_space<vmem>>
      %dma_start3A_1052 = tpu.memref_squeeze %dma_start3A_1051 : memref<1x80x128xf32, #tpu.memory_space<vmem>> -> memref<80x128xf32, #tpu.memory_space<vmem>>
      %dma_start3A_1053 = arith.constant 0 : i32
      %dma_start3A_1054 = tpu.memref_slice %arg2[%add3A_1041, %dma_start3A_1053] : memref<320000x128xf32, #tpu.memory_space<hbm>> -> memref<80x128xf32, #tpu.memory_space<hbm>>
      tpu.enqueue_dma source(%dma_start3A_1054 : memref<80x128xf32, #tpu.memory_space<hbm>>) target(%dma_start3A_1052 : memref<80x128xf32, #tpu.memory_space<vmem>>) target_semaphore(%arg12 : memref<!tpu.dma_semaphore, #tpu.memory_space<semaphore_mem>>)
      %mul3A_1055 = arith.constant 125 : i32
      %mul3A_1056 = arith.muli %add3A, %mul3A_1055 : i32
      %add3A_1057 = arith.addi %mul3A_1056, %add3A_1038 : i32
      %dma_start3A_1058 = arith.constant 3 : i32
      %dma_start3A_1059 = arith.constant 0 : i32
      %dma_start3A_1060 = arith.constant 0 : i32
      %dma_start3A_1061 = tpu.memref_slice %arg7[%dma_start3A_1058, %dma_start3A_1059, %dma_start3A_1060] : memref<4x1x80xi32, #tpu.memory_space<vmem>> -> memref<1x1x80xi32, #tpu.memory_space<vmem>>
      %dma_start3A_1062 = tpu.memref_squeeze %dma_start3A_1061 : memref<1x1x80xi32, #tpu.memory_space<vmem>> -> memref<1x80xi32, #tpu.memory_space<vmem>>
      %dma_start3A_1063 = arith.constant 0 : i32
      %dma_start3A_1064 = arith.constant 0 : i32
      %dma_start3A_1065 = tpu.memref_slice %arg3[%add3A_1057, %dma_start3A_1063, %dma_start3A_1064] : memref<4000x1x80xi32, #tpu.memory_space<hbm>> -> memref<1x1x80xi32, #tpu.memory_space<hbm>>
      %dma_start3A_1066 = tpu.memref_squeeze %dma_start3A_1065 : memref<1x1x80xi32, #tpu.memory_space<hbm>> -> memref<1x80xi32, #tpu.memory_space<hbm>>
      %dma_start3A_1067 = arith.constant 0 : i32
      %dma_start3A_1068 = arith.constant 0 : i32
      %dma_start3A_1069 = tpu.memref_slice %arg7[%dma_start3A_1058, %dma_start3A_1067, %dma_start3A_1068] : memref<4x1x80xi32, #tpu.memory_space<vmem>> -> memref<1x1x80xi32, #tpu.memory_space<vmem>>
      %dma_start3A_1070 = tpu.memref_squeeze %dma_start3A_1069 : memref<1x1x80xi32, #tpu.memory_space<vmem>> -> memref<1x80xi32, #tpu.memory_space<vmem>>
      %dma_start3A_1071 = arith.constant 0 : i32
      %dma_start3A_1072 = arith.constant 0 : i32
      %dma_start3A_1073 = tpu.memref_slice %arg3[%add3A_1057, %dma_start3A_1071, %dma_start3A_1072] : memref<4000x1x80xi32, #tpu.memory_space<hbm>> -> memref<1x1x80xi32, #tpu.memory_space<hbm>>
      %dma_start3A_1074 = tpu.memref_squeeze %dma_start3A_1073 : memref<1x1x80xi32, #tpu.memory_space<hbm>> -> memref<1x80xi32, #tpu.memory_space<hbm>>
      tpu.enqueue_dma source(%dma_start3A_1074 : memref<1x80xi32, #tpu.memory_space<hbm>>) target(%dma_start3A_1070 : memref<1x80xi32, #tpu.memory_space<vmem>>) target_semaphore(%arg12 : memref<!tpu.dma_semaphore, #tpu.memory_space<semaphore_mem>>)
      %dma_wait3A_1075 = arith.constant 2 : i32
      %dma_wait3A_1076 = arith.constant 0 : i32
      %dma_wait3A_1077 = arith.constant 0 : i32
      %dma_wait3A_1078 = tpu.memref_slice %arg6[%dma_wait3A_1075, %dma_wait3A_1076, %dma_wait3A_1077] : memref<4x80x128xf32, #tpu.memory_space<vmem>> -> memref<1x80x128xf32, #tpu.memory_space<vmem>>
      %dma_wait3A_1079 = tpu.memref_squeeze %dma_wait3A_1078 : memref<1x80x128xf32, #tpu.memory_space<vmem>> -> memref<80x128xf32, #tpu.memory_space<vmem>>
      %dma_wait3A_1080 = arith.constant 0 : i32
      %dma_wait3A_1081 = arith.constant 0 : i32
      %dma_wait3A_1082 = tpu.memref_slice %arg2[%dma_wait3A_1080, %dma_wait3A_1081] : memref<320000x128xf32, #tpu.memory_space<hbm>> -> memref<80x128xf32, #tpu.memory_space<hbm>>
      %dma_wait3A_1083 = arith.constant 0 : i32
      %dma_wait3A_1084 = arith.constant 0 : i32
      %dma_wait3A_1085 = tpu.memref_slice %arg6[%dma_wait3A_1075, %dma_wait3A_1083, %dma_wait3A_1084] : memref<4x80x128xf32, #tpu.memory_space<vmem>> -> memref<1x80x128xf32, #tpu.memory_space<vmem>>
      %dma_wait3A_1086 = tpu.memref_squeeze %dma_wait3A_1085 : memref<1x80x128xf32, #tpu.memory_space<vmem>> -> memref<80x128xf32, #tpu.memory_space<vmem>>
      %dma_wait3A_1087 = arith.constant 0 : i32
      %dma_wait3A_1088 = arith.constant 0 : i32
      %dma_wait3A_1089 = tpu.memref_slice %arg2[%dma_wait3A_1087, %dma_wait3A_1088] : memref<320000x128xf32, #tpu.memory_space<hbm>> -> memref<80x128xf32, #tpu.memory_space<hbm>>
      tpu.wait_dma2 semaphore(%arg11 : memref<!tpu.dma_semaphore, #tpu.memory_space<semaphore_mem>>) src(%dma_wait3A_1089 : memref<80x128xf32, #tpu.memory_space<hbm>>) dst(%dma_wait3A_1086 : memref<80x128xf32, #tpu.memory_space<vmem>>)
      %dma_wait3A_1090 = arith.constant 0 : i32
      %dma_wait3A_1091 = arith.constant 2 : i32
      %dma_wait3A_1092 = arith.constant 0 : i32
      %dma_wait3A_1093 = arith.constant 0 : i32
      %dma_wait3A_1094 = tpu.memref_slice %arg7[%dma_wait3A_1091, %dma_wait3A_1092, %dma_wait3A_1093] : memref<4x1x80xi32, #tpu.memory_space<vmem>> -> memref<1x1x80xi32, #tpu.memory_space<vmem>>
      %dma_wait3A_1095 = tpu.memref_squeeze %dma_wait3A_1094 : memref<1x1x80xi32, #tpu.memory_space<vmem>> -> memref<1x80xi32, #tpu.memory_space<vmem>>
      %dma_wait3A_1096 = arith.constant 0 : i32
      %dma_wait3A_1097 = arith.constant 0 : i32
      %dma_wait3A_1098 = tpu.memref_slice %arg3[%dma_wait3A_1090, %dma_wait3A_1096, %dma_wait3A_1097] : memref<4000x1x80xi32, #tpu.memory_space<hbm>> -> memref<1x1x80xi32, #tpu.memory_space<hbm>>
      %dma_wait3A_1099 = tpu.memref_squeeze %dma_wait3A_1098 : memref<1x1x80xi32, #tpu.memory_space<hbm>> -> memref<1x80xi32, #tpu.memory_space<hbm>>
      %dma_wait3A_1100 = arith.constant 0 : i32
      %dma_wait3A_1101 = arith.constant 0 : i32
      %dma_wait3A_1102 = tpu.memref_slice %arg7[%dma_wait3A_1091, %dma_wait3A_1100, %dma_wait3A_1101] : memref<4x1x80xi32, #tpu.memory_space<vmem>> -> memref<1x1x80xi32, #tpu.memory_space<vmem>>
      %dma_wait3A_1103 = tpu.memref_squeeze %dma_wait3A_1102 : memref<1x1x80xi32, #tpu.memory_space<vmem>> -> memref<1x80xi32, #tpu.memory_space<vmem>>
      %dma_wait3A_1104 = arith.constant 0 : i32
      %dma_wait3A_1105 = arith.constant 0 : i32
      %dma_wait3A_1106 = tpu.memref_slice %arg3[%dma_wait3A_1090, %dma_wait3A_1104, %dma_wait3A_1105] : memref<4000x1x80xi32, #tpu.memory_space<hbm>> -> memref<1x1x80xi32, #tpu.memory_space<hbm>>
      %dma_wait3A_1107 = tpu.memref_squeeze %dma_wait3A_1106 : memref<1x1x80xi32, #tpu.memory_space<hbm>> -> memref<1x80xi32, #tpu.memory_space<hbm>>
      tpu.wait_dma2 semaphore(%arg11 : memref<!tpu.dma_semaphore, #tpu.memory_space<semaphore_mem>>) src(%dma_wait3A_1107 : memref<1x80xi32, #tpu.memory_space<hbm>>) dst(%dma_wait3A_1103 : memref<1x80xi32, #tpu.memory_space<vmem>>)
      %dma_start3A_1108 = arith.constant 2 : i32
      %dma_start3A_1109 = arith.constant 2 : i32
      %dma_start3A_1110 = arith.constant 0 : i32
      %dma_start3A_1111 = arith.constant 0 : i32
      %dma_start3A_1112 = arith.constant 0 : i32
      %dma_start3A_1113 = tpu.memref_slice %arg6[%dma_start3A_1108, %dma_start3A_1111, %dma_start3A_1112] : memref<4x80x128xf32, #tpu.memory_space<vmem>> -> memref<1x80x128xf32, #tpu.memory_space<vmem>>
      %dma_start3A_1114 = tpu.memref_squeeze %dma_start3A_1113 : memref<1x80x128xf32, #tpu.memory_space<vmem>> -> memref<80x128xf32, #tpu.memory_space<vmem>>
      %dma_start3A_1115 = arith.constant 0 : i32
      %dma_start3A_1116 = tpu.memref_slice %arg7[%dma_start3A_1109, %dma_start3A_1110, %dma_start3A_1115] : memref<4x1x80xi32, #tpu.memory_space<vmem>> -> memref<1x1x80xi32, #tpu.memory_space<vmem>>
      %dma_start3A_1117 = tpu.memref_squeeze %dma_start3A_1116 : memref<1x1x80xi32, #tpu.memory_space<vmem>> -> memref<80xi32, #tpu.memory_space<vmem>>
      %dma_start3A_1118 = arith.constant 0 : i32
      %dma_start3A_1119 = arith.constant 0 : i32
      %dma_start3A_1120 = tpu.memref_slice %arg8[%dma_start3A_1118, %dma_start3A_1119] : memref<10000x128xf32, #tpu.memory_space<vmem_shared>> -> memref<10000x128xf32, #tpu.memory_space<vmem_shared>>
      tpu.enqueue_indirect_dma source(%dma_start3A_1114 : memref<80x128xf32, #tpu.memory_space<vmem>>) target(%dma_start3A_1120 : memref<10000x128xf32, #tpu.memory_space<vmem_shared>>) offsets(%dma_start3A_1117 : memref<80xi32, #tpu.memory_space<vmem>>) semaphore(%arg15 : memref<!tpu.dma_semaphore, #tpu.memory_space<semaphore_mem>>) {add = true}
      %dma_wait3A_1121 = arith.constant 0 : i32
      %dma_wait3A_1122 = arith.constant 0 : i32
      %dma_wait3A_1123 = arith.constant 0 : i32
      %dma_wait3A_1124 = arith.constant 0 : i32
      %dma_wait3A_1125 = arith.constant 0 : i32
      %dma_wait3A_1126 = tpu.memref_slice %arg6[%dma_wait3A_1121, %dma_wait3A_1124, %dma_wait3A_1125] : memref<4x80x128xf32, #tpu.memory_space<vmem>> -> memref<1x80x128xf32, #tpu.memory_space<vmem>>
      %dma_wait3A_1127 = tpu.memref_squeeze %dma_wait3A_1126 : memref<1x80x128xf32, #tpu.memory_space<vmem>> -> memref<80x128xf32, #tpu.memory_space<vmem>>
      %dma_wait3A_1128 = arith.constant 0 : i32
      %dma_wait3A_1129 = tpu.memref_slice %arg7[%dma_wait3A_1122, %dma_wait3A_1123, %dma_wait3A_1128] : memref<4x1x80xi32, #tpu.memory_space<vmem>> -> memref<1x1x80xi32, #tpu.memory_space<vmem>>
      %dma_wait3A_1130 = tpu.memref_squeeze %dma_wait3A_1129 : memref<1x1x80xi32, #tpu.memory_space<vmem>> -> memref<80xi32, #tpu.memory_space<vmem>>
      %dma_wait3A_1131 = arith.constant 0 : i32
      %dma_wait3A_1132 = arith.constant 0 : i32
      %dma_wait3A_1133 = tpu.memref_slice %arg8[%dma_wait3A_1131, %dma_wait3A_1132] : memref<10000x128xf32, #tpu.memory_space<vmem_shared>> -> memref<10000x128xf32, #tpu.memory_space<vmem_shared>>
      tpu.wait_indirect_dma semaphore(%arg13 : memref<!tpu.dma_semaphore, #tpu.memory_space<semaphore_mem>>) src(%dma_wait3A_1127 : memref<80x128xf32, #tpu.memory_space<vmem>>) dst(%dma_wait3A_1133 : memref<10000x128xf32, #tpu.memory_space<vmem_shared>>)
      %add3A_1134 = arith.constant 4 : i32
      %add3A_1135 = arith.addi %mul3A_880, %add3A_1134 : i32
      %mul3A_1136 = arith.constant 80 : i32
      %mul3A_1137 = arith.muli %add3A_1135, %mul3A_1136 : i32
      %add3A_1138 = arith.addi %mul3A_2, %mul3A_1137 : i32
      %dma_start3A_1139 = arith.constant 0 : i32
      %dma_start3A_1140 = arith.constant 0 : i32
      %dma_start3A_1141 = arith.constant 0 : i32
      %dma_start3A_1142 = tpu.memref_slice %arg6[%dma_start3A_1139, %dma_start3A_1140, %dma_start3A_1141] : memref<4x80x128xf32, #tpu.memory_space<vmem>> -> memref<1x80x128xf32, #tpu.memory_space<vmem>>
      %dma_start3A_1143 = tpu.memref_squeeze %dma_start3A_1142 : memref<1x80x128xf32, #tpu.memory_space<vmem>> -> memref<80x128xf32, #tpu.memory_space<vmem>>
      %dma_start3A_1144 = arith.constant 0 : i32
      %dma_start3A_1145 = tpu.memref_slice %arg2[%add3A_1138, %dma_start3A_1144] : memref<320000x128xf32, #tpu.memory_space<hbm>> -> memref<80x128xf32, #tpu.memory_space<hbm>>
      %dma_start3A_1146 = arith.constant 0 : i32
      %dma_start3A_1147 = arith.constant 0 : i32
      %dma_start3A_1148 = tpu.memref_slice %arg6[%dma_start3A_1139, %dma_start3A_1146, %dma_start3A_1147] : memref<4x80x128xf32, #tpu.memory_space<vmem>> -> memref<1x80x128xf32, #tpu.memory_space<vmem>>
      %dma_start3A_1149 = tpu.memref_squeeze %dma_start3A_1148 : memref<1x80x128xf32, #tpu.memory_space<vmem>> -> memref<80x128xf32, #tpu.memory_space<vmem>>
      %dma_start3A_1150 = arith.constant 0 : i32
      %dma_start3A_1151 = tpu.memref_slice %arg2[%add3A_1138, %dma_start3A_1150] : memref<320000x128xf32, #tpu.memory_space<hbm>> -> memref<80x128xf32, #tpu.memory_space<hbm>>
      tpu.enqueue_dma source(%dma_start3A_1151 : memref<80x128xf32, #tpu.memory_space<hbm>>) target(%dma_start3A_1149 : memref<80x128xf32, #tpu.memory_space<vmem>>) target_semaphore(%arg9 : memref<!tpu.dma_semaphore, #tpu.memory_space<semaphore_mem>>)
      %mul3A_1152 = arith.constant 125 : i32
      %mul3A_1153 = arith.muli %add3A, %mul3A_1152 : i32
      %add3A_1154 = arith.addi %mul3A_1153, %add3A_1135 : i32
      %dma_start3A_1155 = arith.constant 0 : i32
      %dma_start3A_1156 = arith.constant 0 : i32
      %dma_start3A_1157 = arith.constant 0 : i32
      %dma_start3A_1158 = tpu.memref_slice %arg7[%dma_start3A_1155, %dma_start3A_1156, %dma_start3A_1157] : memref<4x1x80xi32, #tpu.memory_space<vmem>> -> memref<1x1x80xi32, #tpu.memory_space<vmem>>
      %dma_start3A_1159 = tpu.memref_squeeze %dma_start3A_1158 : memref<1x1x80xi32, #tpu.memory_space<vmem>> -> memref<1x80xi32, #tpu.memory_space<vmem>>
      %dma_start3A_1160 = arith.constant 0 : i32
      %dma_start3A_1161 = arith.constant 0 : i32
      %dma_start3A_1162 = tpu.memref_slice %arg3[%add3A_1154, %dma_start3A_1160, %dma_start3A_1161] : memref<4000x1x80xi32, #tpu.memory_space<hbm>> -> memref<1x1x80xi32, #tpu.memory_space<hbm>>
      %dma_start3A_1163 = tpu.memref_squeeze %dma_start3A_1162 : memref<1x1x80xi32, #tpu.memory_space<hbm>> -> memref<1x80xi32, #tpu.memory_space<hbm>>
      %dma_start3A_1164 = arith.constant 0 : i32
      %dma_start3A_1165 = arith.constant 0 : i32
      %dma_start3A_1166 = tpu.memref_slice %arg7[%dma_start3A_1155, %dma_start3A_1164, %dma_start3A_1165] : memref<4x1x80xi32, #tpu.memory_space<vmem>> -> memref<1x1x80xi32, #tpu.memory_space<vmem>>
      %dma_start3A_1167 = tpu.memref_squeeze %dma_start3A_1166 : memref<1x1x80xi32, #tpu.memory_space<vmem>> -> memref<1x80xi32, #tpu.memory_space<vmem>>
      %dma_start3A_1168 = arith.constant 0 : i32
      %dma_start3A_1169 = arith.constant 0 : i32
      %dma_start3A_1170 = tpu.memref_slice %arg3[%add3A_1154, %dma_start3A_1168, %dma_start3A_1169] : memref<4000x1x80xi32, #tpu.memory_space<hbm>> -> memref<1x1x80xi32, #tpu.memory_space<hbm>>
      %dma_start3A_1171 = tpu.memref_squeeze %dma_start3A_1170 : memref<1x1x80xi32, #tpu.memory_space<hbm>> -> memref<1x80xi32, #tpu.memory_space<hbm>>
      tpu.enqueue_dma source(%dma_start3A_1171 : memref<1x80xi32, #tpu.memory_space<hbm>>) target(%dma_start3A_1167 : memref<1x80xi32, #tpu.memory_space<vmem>>) target_semaphore(%arg9 : memref<!tpu.dma_semaphore, #tpu.memory_space<semaphore_mem>>)
      %dma_wait3A_1172 = arith.constant 3 : i32
      %dma_wait3A_1173 = arith.constant 0 : i32
      %dma_wait3A_1174 = arith.constant 0 : i32
      %dma_wait3A_1175 = tpu.memref_slice %arg6[%dma_wait3A_1172, %dma_wait3A_1173, %dma_wait3A_1174] : memref<4x80x128xf32, #tpu.memory_space<vmem>> -> memref<1x80x128xf32, #tpu.memory_space<vmem>>
      %dma_wait3A_1176 = tpu.memref_squeeze %dma_wait3A_1175 : memref<1x80x128xf32, #tpu.memory_space<vmem>> -> memref<80x128xf32, #tpu.memory_space<vmem>>
      %dma_wait3A_1177 = arith.constant 0 : i32
      %dma_wait3A_1178 = arith.constant 0 : i32
      %dma_wait3A_1179 = tpu.memref_slice %arg2[%dma_wait3A_1177, %dma_wait3A_1178] : memref<320000x128xf32, #tpu.memory_space<hbm>> -> memref<80x128xf32, #tpu.memory_space<hbm>>
      %dma_wait3A_1180 = arith.constant 0 : i32
      %dma_wait3A_1181 = arith.constant 0 : i32
      %dma_wait3A_1182 = tpu.memref_slice %arg6[%dma_wait3A_1172, %dma_wait3A_1180, %dma_wait3A_1181] : memref<4x80x128xf32, #tpu.memory_space<vmem>> -> memref<1x80x128xf32, #tpu.memory_space<vmem>>
      %dma_wait3A_1183 = tpu.memref_squeeze %dma_wait3A_1182 : memref<1x80x128xf32, #tpu.memory_space<vmem>> -> memref<80x128xf32, #tpu.memory_space<vmem>>
      %dma_wait3A_1184 = arith.constant 0 : i32
      %dma_wait3A_1185 = arith.constant 0 : i32
      %dma_wait3A_1186 = tpu.memref_slice %arg2[%dma_wait3A_1184, %dma_wait3A_1185] : memref<320000x128xf32, #tpu.memory_space<hbm>> -> memref<80x128xf32, #tpu.memory_space<hbm>>
      tpu.wait_dma2 semaphore(%arg12 : memref<!tpu.dma_semaphore, #tpu.memory_space<semaphore_mem>>) src(%dma_wait3A_1186 : memref<80x128xf32, #tpu.memory_space<hbm>>) dst(%dma_wait3A_1183 : memref<80x128xf32, #tpu.memory_space<vmem>>)
      %dma_wait3A_1187 = arith.constant 0 : i32
      %dma_wait3A_1188 = arith.constant 3 : i32
      %dma_wait3A_1189 = arith.constant 0 : i32
      %dma_wait3A_1190 = arith.constant 0 : i32
      %dma_wait3A_1191 = tpu.memref_slice %arg7[%dma_wait3A_1188, %dma_wait3A_1189, %dma_wait3A_1190] : memref<4x1x80xi32, #tpu.memory_space<vmem>> -> memref<1x1x80xi32, #tpu.memory_space<vmem>>
      %dma_wait3A_1192 = tpu.memref_squeeze %dma_wait3A_1191 : memref<1x1x80xi32, #tpu.memory_space<vmem>> -> memref<1x80xi32, #tpu.memory_space<vmem>>
      %dma_wait3A_1193 = arith.constant 0 : i32
      %dma_wait3A_1194 = arith.constant 0 : i32
      %dma_wait3A_1195 = tpu.memref_slice %arg3[%dma_wait3A_1187, %dma_wait3A_1193, %dma_wait3A_1194] : memref<4000x1x80xi32, #tpu.memory_space<hbm>> -> memref<1x1x80xi32, #tpu.memory_space<hbm>>
      %dma_wait3A_1196 = tpu.memref_squeeze %dma_wait3A_1195 : memref<1x1x80xi32, #tpu.memory_space<hbm>> -> memref<1x80xi32, #tpu.memory_space<hbm>>
      %dma_wait3A_1197 = arith.constant 0 : i32
      %dma_wait3A_1198 = arith.constant 0 : i32
      %dma_wait3A_1199 = tpu.memref_slice %arg7[%dma_wait3A_1188, %dma_wait3A_1197, %dma_wait3A_1198] : memref<4x1x80xi32, #tpu.memory_space<vmem>> -> memref<1x1x80xi32, #tpu.memory_space<vmem>>
      %dma_wait3A_1200 = tpu.memref_squeeze %dma_wait3A_1199 : memref<1x1x80xi32, #tpu.memory_space<vmem>> -> memref<1x80xi32, #tpu.memory_space<vmem>>
      %dma_wait3A_1201 = arith.constant 0 : i32
      %dma_wait3A_1202 = arith.constant 0 : i32
      %dma_wait3A_1203 = tpu.memref_slice %arg3[%dma_wait3A_1187, %dma_wait3A_1201, %dma_wait3A_1202] : memref<4000x1x80xi32, #tpu.memory_space<hbm>> -> memref<1x1x80xi32, #tpu.memory_space<hbm>>
      %dma_wait3A_1204 = tpu.memref_squeeze %dma_wait3A_1203 : memref<1x1x80xi32, #tpu.memory_space<hbm>> -> memref<1x80xi32, #tpu.memory_space<hbm>>
      tpu.wait_dma2 semaphore(%arg12 : memref<!tpu.dma_semaphore, #tpu.memory_space<semaphore_mem>>) src(%dma_wait3A_1204 : memref<1x80xi32, #tpu.memory_space<hbm>>) dst(%dma_wait3A_1200 : memref<1x80xi32, #tpu.memory_space<vmem>>)
      %dma_start3A_1205 = arith.constant 3 : i32
      %dma_start3A_1206 = arith.constant 3 : i32
      %dma_start3A_1207 = arith.constant 0 : i32
      %dma_start3A_1208 = arith.constant 0 : i32
      %dma_start3A_1209 = arith.constant 0 : i32
      %dma_start3A_1210 = tpu.memref_slice %arg6[%dma_start3A_1205, %dma_start3A_1208, %dma_start3A_1209] : memref<4x80x128xf32, #tpu.memory_space<vmem>> -> memref<1x80x128xf32, #tpu.memory_space<vmem>>
      %dma_start3A_1211 = tpu.memref_squeeze %dma_start3A_1210 : memref<1x80x128xf32, #tpu.memory_space<vmem>> -> memref<80x128xf32, #tpu.memory_space<vmem>>
      %dma_start3A_1212 = arith.constant 0 : i32
      %dma_start3A_1213 = tpu.memref_slice %arg7[%dma_start3A_1206, %dma_start3A_1207, %dma_start3A_1212] : memref<4x1x80xi32, #tpu.memory_space<vmem>> -> memref<1x1x80xi32, #tpu.memory_space<vmem>>
      %dma_start3A_1214 = tpu.memref_squeeze %dma_start3A_1213 : memref<1x1x80xi32, #tpu.memory_space<vmem>> -> memref<80xi32, #tpu.memory_space<vmem>>
      %dma_start3A_1215 = arith.constant 0 : i32
      %dma_start3A_1216 = arith.constant 0 : i32
      %dma_start3A_1217 = tpu.memref_slice %arg8[%dma_start3A_1215, %dma_start3A_1216] : memref<10000x128xf32, #tpu.memory_space<vmem_shared>> -> memref<10000x128xf32, #tpu.memory_space<vmem_shared>>
      tpu.enqueue_indirect_dma source(%dma_start3A_1211 : memref<80x128xf32, #tpu.memory_space<vmem>>) target(%dma_start3A_1217 : memref<10000x128xf32, #tpu.memory_space<vmem_shared>>) offsets(%dma_start3A_1214 : memref<80xi32, #tpu.memory_space<vmem>>) semaphore(%arg16 : memref<!tpu.dma_semaphore, #tpu.memory_space<semaphore_mem>>) {add = true}
      %dma_wait3A_1218 = arith.constant 1 : i32
      %dma_wait3A_1219 = arith.constant 1 : i32
      %dma_wait3A_1220 = arith.constant 0 : i32
      %dma_wait3A_1221 = arith.constant 0 : i32
      %dma_wait3A_1222 = arith.constant 0 : i32
      %dma_wait3A_1223 = tpu.memref_slice %arg6[%dma_wait3A_1218, %dma_wait3A_1221, %dma_wait3A_1222] : memref<4x80x128xf32, #tpu.memory_space<vmem>> -> memref<1x80x128xf32, #tpu.memory_space<vmem>>
      %dma_wait3A_1224 = tpu.memref_squeeze %dma_wait3A_1223 : memref<1x80x128xf32, #tpu.memory_space<vmem>> -> memref<80x128xf32, #tpu.memory_space<vmem>>
      %dma_wait3A_1225 = arith.constant 0 : i32
      %dma_wait3A_1226 = tpu.memref_slice %arg7[%dma_wait3A_1219, %dma_wait3A_1220, %dma_wait3A_1225] : memref<4x1x80xi32, #tpu.memory_space<vmem>> -> memref<1x1x80xi32, #tpu.memory_space<vmem>>
      %dma_wait3A_1227 = tpu.memref_squeeze %dma_wait3A_1226 : memref<1x1x80xi32, #tpu.memory_space<vmem>> -> memref<80xi32, #tpu.memory_space<vmem>>
      %dma_wait3A_1228 = arith.constant 0 : i32
      %dma_wait3A_1229 = arith.constant 0 : i32
      %dma_wait3A_1230 = tpu.memref_slice %arg8[%dma_wait3A_1228, %dma_wait3A_1229] : memref<10000x128xf32, #tpu.memory_space<vmem_shared>> -> memref<10000x128xf32, #tpu.memory_space<vmem_shared>>
      tpu.wait_indirect_dma semaphore(%arg14 : memref<!tpu.dma_semaphore, #tpu.memory_space<semaphore_mem>>) src(%dma_wait3A_1224 : memref<80x128xf32, #tpu.memory_space<vmem>>) dst(%dma_wait3A_1230 : memref<10000x128xf32, #tpu.memory_space<vmem_shared>>)
      %add3A_1231 = arith.constant 5 : i32
      %add3A_1232 = arith.addi %mul3A_880, %add3A_1231 : i32
      %mul3A_1233 = arith.constant 80 : i32
      %mul3A_1234 = arith.muli %add3A_1232, %mul3A_1233 : i32
      %add3A_1235 = arith.addi %mul3A_2, %mul3A_1234 : i32
      %dma_start3A_1236 = arith.constant 1 : i32
      %dma_start3A_1237 = arith.constant 0 : i32
      %dma_start3A_1238 = arith.constant 0 : i32
      %dma_start3A_1239 = tpu.memref_slice %arg6[%dma_start3A_1236, %dma_start3A_1237, %dma_start3A_1238] : memref<4x80x128xf32, #tpu.memory_space<vmem>> -> memref<1x80x128xf32, #tpu.memory_space<vmem>>
      %dma_start3A_1240 = tpu.memref_squeeze %dma_start3A_1239 : memref<1x80x128xf32, #tpu.memory_space<vmem>> -> memref<80x128xf32, #tpu.memory_space<vmem>>
      %dma_start3A_1241 = arith.constant 0 : i32
      %dma_start3A_1242 = tpu.memref_slice %arg2[%add3A_1235, %dma_start3A_1241] : memref<320000x128xf32, #tpu.memory_space<hbm>> -> memref<80x128xf32, #tpu.memory_space<hbm>>
      %dma_start3A_1243 = arith.constant 0 : i32
      %dma_start3A_1244 = arith.constant 0 : i32
      %dma_start3A_1245 = tpu.memref_slice %arg6[%dma_start3A_1236, %dma_start3A_1243, %dma_start3A_1244] : memref<4x80x128xf32, #tpu.memory_space<vmem>> -> memref<1x80x128xf32, #tpu.memory_space<vmem>>
      %dma_start3A_1246 = tpu.memref_squeeze %dma_start3A_1245 : memref<1x80x128xf32, #tpu.memory_space<vmem>> -> memref<80x128xf32, #tpu.memory_space<vmem>>
      %dma_start3A_1247 = arith.constant 0 : i32
      %dma_start3A_1248 = tpu.memref_slice %arg2[%add3A_1235, %dma_start3A_1247] : memref<320000x128xf32, #tpu.memory_space<hbm>> -> memref<80x128xf32, #tpu.memory_space<hbm>>
      tpu.enqueue_dma source(%dma_start3A_1248 : memref<80x128xf32, #tpu.memory_space<hbm>>) target(%dma_start3A_1246 : memref<80x128xf32, #tpu.memory_space<vmem>>) target_semaphore(%arg10 : memref<!tpu.dma_semaphore, #tpu.memory_space<semaphore_mem>>)
      %mul3A_1249 = arith.constant 125 : i32
      %mul3A_1250 = arith.muli %add3A, %mul3A_1249 : i32
      %add3A_1251 = arith.addi %mul3A_1250, %add3A_1232 : i32
      %dma_start3A_1252 = arith.constant 1 : i32
      %dma_start3A_1253 = arith.constant 0 : i32
      %dma_start3A_1254 = arith.constant 0 : i32
      %dma_start3A_1255 = tpu.memref_slice %arg7[%dma_start3A_1252, %dma_start3A_1253, %dma_start3A_1254] : memref<4x1x80xi32, #tpu.memory_space<vmem>> -> memref<1x1x80xi32, #tpu.memory_space<vmem>>
      %dma_start3A_1256 = tpu.memref_squeeze %dma_start3A_1255 : memref<1x1x80xi32, #tpu.memory_space<vmem>> -> memref<1x80xi32, #tpu.memory_space<vmem>>
      %dma_start3A_1257 = arith.constant 0 : i32
      %dma_start3A_1258 = arith.constant 0 : i32
      %dma_start3A_1259 = tpu.memref_slice %arg3[%add3A_1251, %dma_start3A_1257, %dma_start3A_1258] : memref<4000x1x80xi32, #tpu.memory_space<hbm>> -> memref<1x1x80xi32, #tpu.memory_space<hbm>>
      %dma_start3A_1260 = tpu.memref_squeeze %dma_start3A_1259 : memref<1x1x80xi32, #tpu.memory_space<hbm>> -> memref<1x80xi32, #tpu.memory_space<hbm>>
      %dma_start3A_1261 = arith.constant 0 : i32
      %dma_start3A_1262 = arith.constant 0 : i32
      %dma_start3A_1263 = tpu.memref_slice %arg7[%dma_start3A_1252, %dma_start3A_1261, %dma_start3A_1262] : memref<4x1x80xi32, #tpu.memory_space<vmem>> -> memref<1x1x80xi32, #tpu.memory_space<vmem>>
      %dma_start3A_1264 = tpu.memref_squeeze %dma_start3A_1263 : memref<1x1x80xi32, #tpu.memory_space<vmem>> -> memref<1x80xi32, #tpu.memory_space<vmem>>
      %dma_start3A_1265 = arith.constant 0 : i32
      %dma_start3A_1266 = arith.constant 0 : i32
      %dma_start3A_1267 = tpu.memref_slice %arg3[%add3A_1251, %dma_start3A_1265, %dma_start3A_1266] : memref<4000x1x80xi32, #tpu.memory_space<hbm>> -> memref<1x1x80xi32, #tpu.memory_space<hbm>>
      %dma_start3A_1268 = tpu.memref_squeeze %dma_start3A_1267 : memref<1x1x80xi32, #tpu.memory_space<hbm>> -> memref<1x80xi32, #tpu.memory_space<hbm>>
      tpu.enqueue_dma source(%dma_start3A_1268 : memref<1x80xi32, #tpu.memory_space<hbm>>) target(%dma_start3A_1264 : memref<1x80xi32, #tpu.memory_space<vmem>>) target_semaphore(%arg10 : memref<!tpu.dma_semaphore, #tpu.memory_space<semaphore_mem>>)
    }
    %scan3A_437 = arith.constant 29 : i32
    %dma_wait3A_438 = arith.constant 0 : i32
    %dma_wait3A_439 = arith.constant 0 : i32
    %dma_wait3A_440 = arith.constant 0 : i32
    %dma_wait3A_441 = tpu.memref_slice %arg6[%dma_wait3A_438, %dma_wait3A_439, %dma_wait3A_440] : memref<4x80x128xf32, #tpu.memory_space<vmem>> -> memref<1x80x128xf32, #tpu.memory_space<vmem>>
    %dma_wait3A_442 = tpu.memref_squeeze %dma_wait3A_441 : memref<1x80x128xf32, #tpu.memory_space<vmem>> -> memref<80x128xf32, #tpu.memory_space<vmem>>
    %dma_wait3A_443 = arith.constant 0 : i32
    %dma_wait3A_444 = arith.constant 0 : i32
    %dma_wait3A_445 = tpu.memref_slice %arg2[%dma_wait3A_443, %dma_wait3A_444] : memref<320000x128xf32, #tpu.memory_space<hbm>> -> memref<80x128xf32, #tpu.memory_space<hbm>>
    %dma_wait3A_446 = arith.constant 0 : i32
    %dma_wait3A_447 = arith.constant 0 : i32
    %dma_wait3A_448 = tpu.memref_slice %arg6[%dma_wait3A_438, %dma_wait3A_446, %dma_wait3A_447] : memref<4x80x128xf32, #tpu.memory_space<vmem>> -> memref<1x80x128xf32, #tpu.memory_space<vmem>>
    %dma_wait3A_449 = tpu.memref_squeeze %dma_wait3A_448 : memref<1x80x128xf32, #tpu.memory_space<vmem>> -> memref<80x128xf32, #tpu.memory_space<vmem>>
    %dma_wait3A_450 = arith.constant 0 : i32
    %dma_wait3A_451 = arith.constant 0 : i32
    %dma_wait3A_452 = tpu.memref_slice %arg2[%dma_wait3A_450, %dma_wait3A_451] : memref<320000x128xf32, #tpu.memory_space<hbm>> -> memref<80x128xf32, #tpu.memory_space<hbm>>
    tpu.wait_dma2 semaphore(%arg9 : memref<!tpu.dma_semaphore, #tpu.memory_space<semaphore_mem>>) src(%dma_wait3A_452 : memref<80x128xf32, #tpu.memory_space<hbm>>) dst(%dma_wait3A_449 : memref<80x128xf32, #tpu.memory_space<vmem>>)
    %dma_wait3A_453 = arith.constant 0 : i32
    %dma_wait3A_454 = arith.constant 0 : i32
    %dma_wait3A_455 = arith.constant 0 : i32
    %dma_wait3A_456 = arith.constant 0 : i32
    %dma_wait3A_457 = tpu.memref_slice %arg7[%dma_wait3A_454, %dma_wait3A_455, %dma_wait3A_456] : memref<4x1x80xi32, #tpu.memory_space<vmem>> -> memref<1x1x80xi32, #tpu.memory_space<vmem>>
    %dma_wait3A_458 = tpu.memref_squeeze %dma_wait3A_457 : memref<1x1x80xi32, #tpu.memory_space<vmem>> -> memref<1x80xi32, #tpu.memory_space<vmem>>
    %dma_wait3A_459 = arith.constant 0 : i32
    %dma_wait3A_460 = arith.constant 0 : i32
    %dma_wait3A_461 = tpu.memref_slice %arg3[%dma_wait3A_453, %dma_wait3A_459, %dma_wait3A_460] : memref<4000x1x80xi32, #tpu.memory_space<hbm>> -> memref<1x1x80xi32, #tpu.memory_space<hbm>>
    %dma_wait3A_462 = tpu.memref_squeeze %dma_wait3A_461 : memref<1x1x80xi32, #tpu.memory_space<hbm>> -> memref<1x80xi32, #tpu.memory_space<hbm>>
    %dma_wait3A_463 = arith.constant 0 : i32
    %dma_wait3A_464 = arith.constant 0 : i32
    %dma_wait3A_465 = tpu.memref_slice %arg7[%dma_wait3A_454, %dma_wait3A_463, %dma_wait3A_464] : memref<4x1x80xi32, #tpu.memory_space<vmem>> -> memref<1x1x80xi32, #tpu.memory_space<vmem>>
    %dma_wait3A_466 = tpu.memref_squeeze %dma_wait3A_465 : memref<1x1x80xi32, #tpu.memory_space<vmem>> -> memref<1x80xi32, #tpu.memory_space<vmem>>
    %dma_wait3A_467 = arith.constant 0 : i32
    %dma_wait3A_468 = arith.constant 0 : i32
    %dma_wait3A_469 = tpu.memref_slice %arg3[%dma_wait3A_453, %dma_wait3A_467, %dma_wait3A_468] : memref<4000x1x80xi32, #tpu.memory_space<hbm>> -> memref<1x1x80xi32, #tpu.memory_space<hbm>>
    %dma_wait3A_470 = tpu.memref_squeeze %dma_wait3A_469 : memref<1x1x80xi32, #tpu.memory_space<hbm>> -> memref<1x80xi32, #tpu.memory_space<hbm>>
    tpu.wait_dma2 semaphore(%arg9 : memref<!tpu.dma_semaphore, #tpu.memory_space<semaphore_mem>>) src(%dma_wait3A_470 : memref<1x80xi32, #tpu.memory_space<hbm>>) dst(%dma_wait3A_466 : memref<1x80xi32, #tpu.memory_space<vmem>>)
    %dma_start3A_471 = arith.constant 0 : i32
    %dma_start3A_472 = arith.constant 0 : i32
    %dma_start3A_473 = arith.constant 0 : i32
    %dma_start3A_474 = arith.constant 0 : i32
    %dma_start3A_475 = arith.constant 0 : i32
    %dma_start3A_476 = tpu.memref_slice %arg6[%dma_start3A_471, %dma_start3A_474, %dma_start3A_475] : memref<4x80x128xf32, #tpu.memory_space<vmem>> -> memref<1x80x128xf32, #tpu.memory_space<vmem>>
    %dma_start3A_477 = tpu.memref_squeeze %dma_start3A_476 : memref<1x80x128xf32, #tpu.memory_space<vmem>> -> memref<80x128xf32, #tpu.memory_space<vmem>>
    %dma_start3A_478 = arith.constant 0 : i32
    %dma_start3A_479 = tpu.memref_slice %arg7[%dma_start3A_472, %dma_start3A_473, %dma_start3A_478] : memref<4x1x80xi32, #tpu.memory_space<vmem>> -> memref<1x1x80xi32, #tpu.memory_space<vmem>>
    %dma_start3A_480 = tpu.memref_squeeze %dma_start3A_479 : memref<1x1x80xi32, #tpu.memory_space<vmem>> -> memref<80xi32, #tpu.memory_space<vmem>>
    %dma_start3A_481 = arith.constant 0 : i32
    %dma_start3A_482 = arith.constant 0 : i32
    %dma_start3A_483 = tpu.memref_slice %arg8[%dma_start3A_481, %dma_start3A_482] : memref<10000x128xf32, #tpu.memory_space<vmem_shared>> -> memref<10000x128xf32, #tpu.memory_space<vmem_shared>>
    tpu.enqueue_indirect_dma source(%dma_start3A_477 : memref<80x128xf32, #tpu.memory_space<vmem>>) target(%dma_start3A_483 : memref<10000x128xf32, #tpu.memory_space<vmem_shared>>) offsets(%dma_start3A_480 : memref<80xi32, #tpu.memory_space<vmem>>) semaphore(%arg13 : memref<!tpu.dma_semaphore, #tpu.memory_space<semaphore_mem>>) {add = true}
    %dma_wait3A_484 = arith.constant 2 : i32
    %dma_wait3A_485 = arith.constant 2 : i32
    %dma_wait3A_486 = arith.constant 0 : i32
    %dma_wait3A_487 = arith.constant 0 : i32
    %dma_wait3A_488 = arith.constant 0 : i32
    %dma_wait3A_489 = tpu.memref_slice %arg6[%dma_wait3A_484, %dma_wait3A_487, %dma_wait3A_488] : memref<4x80x128xf32, #tpu.memory_space<vmem>> -> memref<1x80x128xf32, #tpu.memory_space<vmem>>
    %dma_wait3A_490 = tpu.memref_squeeze %dma_wait3A_489 : memref<1x80x128xf32, #tpu.memory_space<vmem>> -> memref<80x128xf32, #tpu.memory_space<vmem>>
    %dma_wait3A_491 = arith.constant 0 : i32
    %dma_wait3A_492 = tpu.memref_slice %arg7[%dma_wait3A_485, %dma_wait3A_486, %dma_wait3A_491] : memref<4x1x80xi32, #tpu.memory_space<vmem>> -> memref<1x1x80xi32, #tpu.memory_space<vmem>>
    %dma_wait3A_493 = tpu.memref_squeeze %dma_wait3A_492 : memref<1x1x80xi32, #tpu.memory_space<vmem>> -> memref<80xi32, #tpu.memory_space<vmem>>
    %dma_wait3A_494 = arith.constant 0 : i32
    %dma_wait3A_495 = arith.constant 0 : i32
    %dma_wait3A_496 = tpu.memref_slice %arg8[%dma_wait3A_494, %dma_wait3A_495] : memref<10000x128xf32, #tpu.memory_space<vmem_shared>> -> memref<10000x128xf32, #tpu.memory_space<vmem_shared>>
    tpu.wait_indirect_dma semaphore(%arg15 : memref<!tpu.dma_semaphore, #tpu.memory_space<semaphore_mem>>) src(%dma_wait3A_490 : memref<80x128xf32, #tpu.memory_space<vmem>>) dst(%dma_wait3A_496 : memref<10000x128xf32, #tpu.memory_space<vmem_shared>>)
    %add3A_497 = arith.constant 9760 : i32
    %add3A_498 = arith.addi %mul3A_2, %add3A_497 : i32
    %dma_start3A_499 = arith.constant 2 : i32
    %dma_start3A_500 = arith.constant 0 : i32
    %dma_start3A_501 = arith.constant 0 : i32
    %dma_start3A_502 = tpu.memref_slice %arg6[%dma_start3A_499, %dma_start3A_500, %dma_start3A_501] : memref<4x80x128xf32, #tpu.memory_space<vmem>> -> memref<1x80x128xf32, #tpu.memory_space<vmem>>
    %dma_start3A_503 = tpu.memref_squeeze %dma_start3A_502 : memref<1x80x128xf32, #tpu.memory_space<vmem>> -> memref<80x128xf32, #tpu.memory_space<vmem>>
    %dma_start3A_504 = arith.constant 0 : i32
    %dma_start3A_505 = tpu.memref_slice %arg2[%add3A_498, %dma_start3A_504] : memref<320000x128xf32, #tpu.memory_space<hbm>> -> memref<80x128xf32, #tpu.memory_space<hbm>>
    %dma_start3A_506 = arith.constant 0 : i32
    %dma_start3A_507 = arith.constant 0 : i32
    %dma_start3A_508 = tpu.memref_slice %arg6[%dma_start3A_499, %dma_start3A_506, %dma_start3A_507] : memref<4x80x128xf32, #tpu.memory_space<vmem>> -> memref<1x80x128xf32, #tpu.memory_space<vmem>>
    %dma_start3A_509 = tpu.memref_squeeze %dma_start3A_508 : memref<1x80x128xf32, #tpu.memory_space<vmem>> -> memref<80x128xf32, #tpu.memory_space<vmem>>
    %dma_start3A_510 = arith.constant 0 : i32
    %dma_start3A_511 = tpu.memref_slice %arg2[%add3A_498, %dma_start3A_510] : memref<320000x128xf32, #tpu.memory_space<hbm>> -> memref<80x128xf32, #tpu.memory_space<hbm>>
    tpu.enqueue_dma source(%dma_start3A_511 : memref<80x128xf32, #tpu.memory_space<hbm>>) target(%dma_start3A_509 : memref<80x128xf32, #tpu.memory_space<vmem>>) target_semaphore(%arg11 : memref<!tpu.dma_semaphore, #tpu.memory_space<semaphore_mem>>)
    %mul3A_512 = arith.constant 125 : i32
    %mul3A_513 = arith.muli %add3A, %mul3A_512 : i32
    %add3A_514 = arith.constant 122 : i32
    %add3A_515 = arith.addi %mul3A_513, %add3A_514 : i32
    %dma_start3A_516 = arith.constant 2 : i32
    %dma_start3A_517 = arith.constant 0 : i32
    %dma_start3A_518 = arith.constant 0 : i32
    %dma_start3A_519 = tpu.memref_slice %arg7[%dma_start3A_516, %dma_start3A_517, %dma_start3A_518] : memref<4x1x80xi32, #tpu.memory_space<vmem>> -> memref<1x1x80xi32, #tpu.memory_space<vmem>>
    %dma_start3A_520 = tpu.memref_squeeze %dma_start3A_519 : memref<1x1x80xi32, #tpu.memory_space<vmem>> -> memref<1x80xi32, #tpu.memory_space<vmem>>
    %dma_start3A_521 = arith.constant 0 : i32
    %dma_start3A_522 = arith.constant 0 : i32
    %dma_start3A_523 = tpu.memref_slice %arg3[%add3A_515, %dma_start3A_521, %dma_start3A_522] : memref<4000x1x80xi32, #tpu.memory_space<hbm>> -> memref<1x1x80xi32, #tpu.memory_space<hbm>>
    %dma_start3A_524 = tpu.memref_squeeze %dma_start3A_523 : memref<1x1x80xi32, #tpu.memory_space<hbm>> -> memref<1x80xi32, #tpu.memory_space<hbm>>
    %dma_start3A_525 = arith.constant 0 : i32
    %dma_start3A_526 = arith.constant 0 : i32
    %dma_start3A_527 = tpu.memref_slice %arg7[%dma_start3A_516, %dma_start3A_525, %dma_start3A_526] : memref<4x1x80xi32, #tpu.memory_space<vmem>> -> memref<1x1x80xi32, #tpu.memory_space<vmem>>
    %dma_start3A_528 = tpu.memref_squeeze %dma_start3A_527 : memref<1x1x80xi32, #tpu.memory_space<vmem>> -> memref<1x80xi32, #tpu.memory_space<vmem>>
    %dma_start3A_529 = arith.constant 0 : i32
    %dma_start3A_530 = arith.constant 0 : i32
    %dma_start3A_531 = tpu.memref_slice %arg3[%add3A_515, %dma_start3A_529, %dma_start3A_530] : memref<4000x1x80xi32, #tpu.memory_space<hbm>> -> memref<1x1x80xi32, #tpu.memory_space<hbm>>
    %dma_start3A_532 = tpu.memref_squeeze %dma_start3A_531 : memref<1x1x80xi32, #tpu.memory_space<hbm>> -> memref<1x80xi32, #tpu.memory_space<hbm>>
    tpu.enqueue_dma source(%dma_start3A_532 : memref<1x80xi32, #tpu.memory_space<hbm>>) target(%dma_start3A_528 : memref<1x80xi32, #tpu.memory_space<vmem>>) target_semaphore(%arg11 : memref<!tpu.dma_semaphore, #tpu.memory_space<semaphore_mem>>)
    %dma_wait3A_533 = arith.constant 1 : i32
    %dma_wait3A_534 = arith.constant 0 : i32
    %dma_wait3A_535 = arith.constant 0 : i32
    %dma_wait3A_536 = tpu.memref_slice %arg6[%dma_wait3A_533, %dma_wait3A_534, %dma_wait3A_535] : memref<4x80x128xf32, #tpu.memory_space<vmem>> -> memref<1x80x128xf32, #tpu.memory_space<vmem>>
    %dma_wait3A_537 = tpu.memref_squeeze %dma_wait3A_536 : memref<1x80x128xf32, #tpu.memory_space<vmem>> -> memref<80x128xf32, #tpu.memory_space<vmem>>
    %dma_wait3A_538 = arith.constant 0 : i32
    %dma_wait3A_539 = arith.constant 0 : i32
    %dma_wait3A_540 = tpu.memref_slice %arg2[%dma_wait3A_538, %dma_wait3A_539] : memref<320000x128xf32, #tpu.memory_space<hbm>> -> memref<80x128xf32, #tpu.memory_space<hbm>>
    %dma_wait3A_541 = arith.constant 0 : i32
    %dma_wait3A_542 = arith.constant 0 : i32
    %dma_wait3A_543 = tpu.memref_slice %arg6[%dma_wait3A_533, %dma_wait3A_541, %dma_wait3A_542] : memref<4x80x128xf32, #tpu.memory_space<vmem>> -> memref<1x80x128xf32, #tpu.memory_space<vmem>>
    %dma_wait3A_544 = tpu.memref_squeeze %dma_wait3A_543 : memref<1x80x128xf32, #tpu.memory_space<vmem>> -> memref<80x128xf32, #tpu.memory_space<vmem>>
    %dma_wait3A_545 = arith.constant 0 : i32
    %dma_wait3A_546 = arith.constant 0 : i32
    %dma_wait3A_547 = tpu.memref_slice %arg2[%dma_wait3A_545, %dma_wait3A_546] : memref<320000x128xf32, #tpu.memory_space<hbm>> -> memref<80x128xf32, #tpu.memory_space<hbm>>
    tpu.wait_dma2 semaphore(%arg10 : memref<!tpu.dma_semaphore, #tpu.memory_space<semaphore_mem>>) src(%dma_wait3A_547 : memref<80x128xf32, #tpu.memory_space<hbm>>) dst(%dma_wait3A_544 : memref<80x128xf32, #tpu.memory_space<vmem>>)
    %dma_wait3A_548 = arith.constant 0 : i32
    %dma_wait3A_549 = arith.constant 1 : i32
    %dma_wait3A_550 = arith.constant 0 : i32
    %dma_wait3A_551 = arith.constant 0 : i32
    %dma_wait3A_552 = tpu.memref_slice %arg7[%dma_wait3A_549, %dma_wait3A_550, %dma_wait3A_551] : memref<4x1x80xi32, #tpu.memory_space<vmem>> -> memref<1x1x80xi32, #tpu.memory_space<vmem>>
    %dma_wait3A_553 = tpu.memref_squeeze %dma_wait3A_552 : memref<1x1x80xi32, #tpu.memory_space<vmem>> -> memref<1x80xi32, #tpu.memory_space<vmem>>
    %dma_wait3A_554 = arith.constant 0 : i32
    %dma_wait3A_555 = arith.constant 0 : i32
    %dma_wait3A_556 = tpu.memref_slice %arg3[%dma_wait3A_548, %dma_wait3A_554, %dma_wait3A_555] : memref<4000x1x80xi32, #tpu.memory_space<hbm>> -> memref<1x1x80xi32, #tpu.memory_space<hbm>>
    %dma_wait3A_557 = tpu.memref_squeeze %dma_wait3A_556 : memref<1x1x80xi32, #tpu.memory_space<hbm>> -> memref<1x80xi32, #tpu.memory_space<hbm>>
    %dma_wait3A_558 = arith.constant 0 : i32
    %dma_wait3A_559 = arith.constant 0 : i32
    %dma_wait3A_560 = tpu.memref_slice %arg7[%dma_wait3A_549, %dma_wait3A_558, %dma_wait3A_559] : memref<4x1x80xi32, #tpu.memory_space<vmem>> -> memref<1x1x80xi32, #tpu.memory_space<vmem>>
    %dma_wait3A_561 = tpu.memref_squeeze %dma_wait3A_560 : memref<1x1x80xi32, #tpu.memory_space<vmem>> -> memref<1x80xi32, #tpu.memory_space<vmem>>
    %dma_wait3A_562 = arith.constant 0 : i32
    %dma_wait3A_563 = arith.constant 0 : i32
    %dma_wait3A_564 = tpu.memref_slice %arg3[%dma_wait3A_548, %dma_wait3A_562, %dma_wait3A_563] : memref<4000x1x80xi32, #tpu.memory_space<hbm>> -> memref<1x1x80xi32, #tpu.memory_space<hbm>>
    %dma_wait3A_565 = tpu.memref_squeeze %dma_wait3A_564 : memref<1x1x80xi32, #tpu.memory_space<hbm>> -> memref<1x80xi32, #tpu.memory_space<hbm>>
    tpu.wait_dma2 semaphore(%arg10 : memref<!tpu.dma_semaphore, #tpu.memory_space<semaphore_mem>>) src(%dma_wait3A_565 : memref<1x80xi32, #tpu.memory_space<hbm>>) dst(%dma_wait3A_561 : memref<1x80xi32, #tpu.memory_space<vmem>>)
    %dma_start3A_566 = arith.constant 1 : i32
    %dma_start3A_567 = arith.constant 1 : i32
    %dma_start3A_568 = arith.constant 0 : i32
    %dma_start3A_569 = arith.constant 0 : i32
    %dma_start3A_570 = arith.constant 0 : i32
    %dma_start3A_571 = tpu.memref_slice %arg6[%dma_start3A_566, %dma_start3A_569, %dma_start3A_570] : memref<4x80x128xf32, #tpu.memory_space<vmem>> -> memref<1x80x128xf32, #tpu.memory_space<vmem>>
    %dma_start3A_572 = tpu.memref_squeeze %dma_start3A_571 : memref<1x80x128xf32, #tpu.memory_space<vmem>> -> memref<80x128xf32, #tpu.memory_space<vmem>>
    %dma_start3A_573 = arith.constant 0 : i32
    %dma_start3A_574 = tpu.memref_slice %arg7[%dma_start3A_567, %dma_start3A_568, %dma_start3A_573] : memref<4x1x80xi32, #tpu.memory_space<vmem>> -> memref<1x1x80xi32, #tpu.memory_space<vmem>>
    %dma_start3A_575 = tpu.memref_squeeze %dma_start3A_574 : memref<1x1x80xi32, #tpu.memory_space<vmem>> -> memref<80xi32, #tpu.memory_space<vmem>>
    %dma_start3A_576 = arith.constant 0 : i32
    %dma_start3A_577 = arith.constant 0 : i32
    %dma_start3A_578 = tpu.memref_slice %arg8[%dma_start3A_576, %dma_start3A_577] : memref<10000x128xf32, #tpu.memory_space<vmem_shared>> -> memref<10000x128xf32, #tpu.memory_space<vmem_shared>>
    tpu.enqueue_indirect_dma source(%dma_start3A_572 : memref<80x128xf32, #tpu.memory_space<vmem>>) target(%dma_start3A_578 : memref<10000x128xf32, #tpu.memory_space<vmem_shared>>) offsets(%dma_start3A_575 : memref<80xi32, #tpu.memory_space<vmem>>) semaphore(%arg14 : memref<!tpu.dma_semaphore, #tpu.memory_space<semaphore_mem>>) {add = true}
    %dma_wait3A_579 = arith.constant 3 : i32
    %dma_wait3A_580 = arith.constant 3 : i32
    %dma_wait3A_581 = arith.constant 0 : i32
    %dma_wait3A_582 = arith.constant 0 : i32
    %dma_wait3A_583 = arith.constant 0 : i32
    %dma_wait3A_584 = tpu.memref_slice %arg6[%dma_wait3A_579, %dma_wait3A_582, %dma_wait3A_583] : memref<4x80x128xf32, #tpu.memory_space<vmem>> -> memref<1x80x128xf32, #tpu.memory_space<vmem>>
    %dma_wait3A_585 = tpu.memref_squeeze %dma_wait3A_584 : memref<1x80x128xf32, #tpu.memory_space<vmem>> -> memref<80x128xf32, #tpu.memory_space<vmem>>
    %dma_wait3A_586 = arith.constant 0 : i32
    %dma_wait3A_587 = tpu.memref_slice %arg7[%dma_wait3A_580, %dma_wait3A_581, %dma_wait3A_586] : memref<4x1x80xi32, #tpu.memory_space<vmem>> -> memref<1x1x80xi32, #tpu.memory_space<vmem>>
    %dma_wait3A_588 = tpu.memref_squeeze %dma_wait3A_587 : memref<1x1x80xi32, #tpu.memory_space<vmem>> -> memref<80xi32, #tpu.memory_space<vmem>>
    %dma_wait3A_589 = arith.constant 0 : i32
    %dma_wait3A_590 = arith.constant 0 : i32
    %dma_wait3A_591 = tpu.memref_slice %arg8[%dma_wait3A_589, %dma_wait3A_590] : memref<10000x128xf32, #tpu.memory_space<vmem_shared>> -> memref<10000x128xf32, #tpu.memory_space<vmem_shared>>
    tpu.wait_indirect_dma semaphore(%arg16 : memref<!tpu.dma_semaphore, #tpu.memory_space<semaphore_mem>>) src(%dma_wait3A_585 : memref<80x128xf32, #tpu.memory_space<vmem>>) dst(%dma_wait3A_591 : memref<10000x128xf32, #tpu.memory_space<vmem_shared>>)
    %add3A_592 = arith.constant 9840 : i32
    %add3A_593 = arith.addi %mul3A_2, %add3A_592 : i32
    %dma_start3A_594 = arith.constant 3 : i32
    %dma_start3A_595 = arith.constant 0 : i32
    %dma_start3A_596 = arith.constant 0 : i32
    %dma_start3A_597 = tpu.memref_slice %arg6[%dma_start3A_594, %dma_start3A_595, %dma_start3A_596] : memref<4x80x128xf32, #tpu.memory_space<vmem>> -> memref<1x80x128xf32, #tpu.memory_space<vmem>>
    %dma_start3A_598 = tpu.memref_squeeze %dma_start3A_597 : memref<1x80x128xf32, #tpu.memory_space<vmem>> -> memref<80x128xf32, #tpu.memory_space<vmem>>
    %dma_start3A_599 = arith.constant 0 : i32
    %dma_start3A_600 = tpu.memref_slice %arg2[%add3A_593, %dma_start3A_599] : memref<320000x128xf32, #tpu.memory_space<hbm>> -> memref<80x128xf32, #tpu.memory_space<hbm>>
    %dma_start3A_601 = arith.constant 0 : i32
    %dma_start3A_602 = arith.constant 0 : i32
    %dma_start3A_603 = tpu.memref_slice %arg6[%dma_start3A_594, %dma_start3A_601, %dma_start3A_602] : memref<4x80x128xf32, #tpu.memory_space<vmem>> -> memref<1x80x128xf32, #tpu.memory_space<vmem>>
    %dma_start3A_604 = tpu.memref_squeeze %dma_start3A_603 : memref<1x80x128xf32, #tpu.memory_space<vmem>> -> memref<80x128xf32, #tpu.memory_space<vmem>>
    %dma_start3A_605 = arith.constant 0 : i32
    %dma_start3A_606 = tpu.memref_slice %arg2[%add3A_593, %dma_start3A_605] : memref<320000x128xf32, #tpu.memory_space<hbm>> -> memref<80x128xf32, #tpu.memory_space<hbm>>
    tpu.enqueue_dma source(%dma_start3A_606 : memref<80x128xf32, #tpu.memory_space<hbm>>) target(%dma_start3A_604 : memref<80x128xf32, #tpu.memory_space<vmem>>) target_semaphore(%arg12 : memref<!tpu.dma_semaphore, #tpu.memory_space<semaphore_mem>>)
    %mul3A_607 = arith.constant 125 : i32
    %mul3A_608 = arith.muli %add3A, %mul3A_607 : i32
    %add3A_609 = arith.constant 123 : i32
    %add3A_610 = arith.addi %mul3A_608, %add3A_609 : i32
    %dma_start3A_611 = arith.constant 3 : i32
    %dma_start3A_612 = arith.constant 0 : i32
    %dma_start3A_613 = arith.constant 0 : i32
    %dma_start3A_614 = tpu.memref_slice %arg7[%dma_start3A_611, %dma_start3A_612, %dma_start3A_613] : memref<4x1x80xi32, #tpu.memory_space<vmem>> -> memref<1x1x80xi32, #tpu.memory_space<vmem>>
    %dma_start3A_615 = tpu.memref_squeeze %dma_start3A_614 : memref<1x1x80xi32, #tpu.memory_space<vmem>> -> memref<1x80xi32, #tpu.memory_space<vmem>>
    %dma_start3A_616 = arith.constant 0 : i32
    %dma_start3A_617 = arith.constant 0 : i32
    %dma_start3A_618 = tpu.memref_slice %arg3[%add3A_610, %dma_start3A_616, %dma_start3A_617] : memref<4000x1x80xi32, #tpu.memory_space<hbm>> -> memref<1x1x80xi32, #tpu.memory_space<hbm>>
    %dma_start3A_619 = tpu.memref_squeeze %dma_start3A_618 : memref<1x1x80xi32, #tpu.memory_space<hbm>> -> memref<1x80xi32, #tpu.memory_space<hbm>>
    %dma_start3A_620 = arith.constant 0 : i32
    %dma_start3A_621 = arith.constant 0 : i32
    %dma_start3A_622 = tpu.memref_slice %arg7[%dma_start3A_611, %dma_start3A_620, %dma_start3A_621] : memref<4x1x80xi32, #tpu.memory_space<vmem>> -> memref<1x1x80xi32, #tpu.memory_space<vmem>>
    %dma_start3A_623 = tpu.memref_squeeze %dma_start3A_622 : memref<1x1x80xi32, #tpu.memory_space<vmem>> -> memref<1x80xi32, #tpu.memory_space<vmem>>
    %dma_start3A_624 = arith.constant 0 : i32
    %dma_start3A_625 = arith.constant 0 : i32
    %dma_start3A_626 = tpu.memref_slice %arg3[%add3A_610, %dma_start3A_624, %dma_start3A_625] : memref<4000x1x80xi32, #tpu.memory_space<hbm>> -> memref<1x1x80xi32, #tpu.memory_space<hbm>>
    %dma_start3A_627 = tpu.memref_squeeze %dma_start3A_626 : memref<1x1x80xi32, #tpu.memory_space<hbm>> -> memref<1x80xi32, #tpu.memory_space<hbm>>
    tpu.enqueue_dma source(%dma_start3A_627 : memref<1x80xi32, #tpu.memory_space<hbm>>) target(%dma_start3A_623 : memref<1x80xi32, #tpu.memory_space<vmem>>) target_semaphore(%arg12 : memref<!tpu.dma_semaphore, #tpu.memory_space<semaphore_mem>>)
    %dma_wait3A_628 = arith.constant 2 : i32
    %dma_wait3A_629 = arith.constant 0 : i32
    %dma_wait3A_630 = arith.constant 0 : i32
    %dma_wait3A_631 = tpu.memref_slice %arg6[%dma_wait3A_628, %dma_wait3A_629, %dma_wait3A_630] : memref<4x80x128xf32, #tpu.memory_space<vmem>> -> memref<1x80x128xf32, #tpu.memory_space<vmem>>
    %dma_wait3A_632 = tpu.memref_squeeze %dma_wait3A_631 : memref<1x80x128xf32, #tpu.memory_space<vmem>> -> memref<80x128xf32, #tpu.memory_space<vmem>>
    %dma_wait3A_633 = arith.constant 0 : i32
    %dma_wait3A_634 = arith.constant 0 : i32
    %dma_wait3A_635 = tpu.memref_slice %arg2[%dma_wait3A_633, %dma_wait3A_634] : memref<320000x128xf32, #tpu.memory_space<hbm>> -> memref<80x128xf32, #tpu.memory_space<hbm>>
    %dma_wait3A_636 = arith.constant 0 : i32
    %dma_wait3A_637 = arith.constant 0 : i32
    %dma_wait3A_638 = tpu.memref_slice %arg6[%dma_wait3A_628, %dma_wait3A_636, %dma_wait3A_637] : memref<4x80x128xf32, #tpu.memory_space<vmem>> -> memref<1x80x128xf32, #tpu.memory_space<vmem>>
    %dma_wait3A_639 = tpu.memref_squeeze %dma_wait3A_638 : memref<1x80x128xf32, #tpu.memory_space<vmem>> -> memref<80x128xf32, #tpu.memory_space<vmem>>
    %dma_wait3A_640 = arith.constant 0 : i32
    %dma_wait3A_641 = arith.constant 0 : i32
    %dma_wait3A_642 = tpu.memref_slice %arg2[%dma_wait3A_640, %dma_wait3A_641] : memref<320000x128xf32, #tpu.memory_space<hbm>> -> memref<80x128xf32, #tpu.memory_space<hbm>>
    tpu.wait_dma2 semaphore(%arg11 : memref<!tpu.dma_semaphore, #tpu.memory_space<semaphore_mem>>) src(%dma_wait3A_642 : memref<80x128xf32, #tpu.memory_space<hbm>>) dst(%dma_wait3A_639 : memref<80x128xf32, #tpu.memory_space<vmem>>)
    %dma_wait3A_643 = arith.constant 0 : i32
    %dma_wait3A_644 = arith.constant 2 : i32
    %dma_wait3A_645 = arith.constant 0 : i32
    %dma_wait3A_646 = arith.constant 0 : i32
    %dma_wait3A_647 = tpu.memref_slice %arg7[%dma_wait3A_644, %dma_wait3A_645, %dma_wait3A_646] : memref<4x1x80xi32, #tpu.memory_space<vmem>> -> memref<1x1x80xi32, #tpu.memory_space<vmem>>
    %dma_wait3A_648 = tpu.memref_squeeze %dma_wait3A_647 : memref<1x1x80xi32, #tpu.memory_space<vmem>> -> memref<1x80xi32, #tpu.memory_space<vmem>>
    %dma_wait3A_649 = arith.constant 0 : i32
    %dma_wait3A_650 = arith.constant 0 : i32
    %dma_wait3A_651 = tpu.memref_slice %arg3[%dma_wait3A_643, %dma_wait3A_649, %dma_wait3A_650] : memref<4000x1x80xi32, #tpu.memory_space<hbm>> -> memref<1x1x80xi32, #tpu.memory_space<hbm>>
    %dma_wait3A_652 = tpu.memref_squeeze %dma_wait3A_651 : memref<1x1x80xi32, #tpu.memory_space<hbm>> -> memref<1x80xi32, #tpu.memory_space<hbm>>
    %dma_wait3A_653 = arith.constant 0 : i32
    %dma_wait3A_654 = arith.constant 0 : i32
    %dma_wait3A_655 = tpu.memref_slice %arg7[%dma_wait3A_644, %dma_wait3A_653, %dma_wait3A_654] : memref<4x1x80xi32, #tpu.memory_space<vmem>> -> memref<1x1x80xi32, #tpu.memory_space<vmem>>
    %dma_wait3A_656 = tpu.memref_squeeze %dma_wait3A_655 : memref<1x1x80xi32, #tpu.memory_space<vmem>> -> memref<1x80xi32, #tpu.memory_space<vmem>>
    %dma_wait3A_657 = arith.constant 0 : i32
    %dma_wait3A_658 = arith.constant 0 : i32
    %dma_wait3A_659 = tpu.memref_slice %arg3[%dma_wait3A_643, %dma_wait3A_657, %dma_wait3A_658] : memref<4000x1x80xi32, #tpu.memory_space<hbm>> -> memref<1x1x80xi32, #tpu.memory_space<hbm>>
    %dma_wait3A_660 = tpu.memref_squeeze %dma_wait3A_659 : memref<1x1x80xi32, #tpu.memory_space<hbm>> -> memref<1x80xi32, #tpu.memory_space<hbm>>
    tpu.wait_dma2 semaphore(%arg11 : memref<!tpu.dma_semaphore, #tpu.memory_space<semaphore_mem>>) src(%dma_wait3A_660 : memref<1x80xi32, #tpu.memory_space<hbm>>) dst(%dma_wait3A_656 : memref<1x80xi32, #tpu.memory_space<vmem>>)
    %dma_start3A_661 = arith.constant 2 : i32
    %dma_start3A_662 = arith.constant 2 : i32
    %dma_start3A_663 = arith.constant 0 : i32
    %dma_start3A_664 = arith.constant 0 : i32
    %dma_start3A_665 = arith.constant 0 : i32
    %dma_start3A_666 = tpu.memref_slice %arg6[%dma_start3A_661, %dma_start3A_664, %dma_start3A_665] : memref<4x80x128xf32, #tpu.memory_space<vmem>> -> memref<1x80x128xf32, #tpu.memory_space<vmem>>
    %dma_start3A_667 = tpu.memref_squeeze %dma_start3A_666 : memref<1x80x128xf32, #tpu.memory_space<vmem>> -> memref<80x128xf32, #tpu.memory_space<vmem>>
    %dma_start3A_668 = arith.constant 0 : i32
    %dma_start3A_669 = tpu.memref_slice %arg7[%dma_start3A_662, %dma_start3A_663, %dma_start3A_668] : memref<4x1x80xi32, #tpu.memory_space<vmem>> -> memref<1x1x80xi32, #tpu.memory_space<vmem>>
    %dma_start3A_670 = tpu.memref_squeeze %dma_start3A_669 : memref<1x1x80xi32, #tpu.memory_space<vmem>> -> memref<80xi32, #tpu.memory_space<vmem>>
    %dma_start3A_671 = arith.constant 0 : i32
    %dma_start3A_672 = arith.constant 0 : i32
    %dma_start3A_673 = tpu.memref_slice %arg8[%dma_start3A_671, %dma_start3A_672] : memref<10000x128xf32, #tpu.memory_space<vmem_shared>> -> memref<10000x128xf32, #tpu.memory_space<vmem_shared>>
    tpu.enqueue_indirect_dma source(%dma_start3A_667 : memref<80x128xf32, #tpu.memory_space<vmem>>) target(%dma_start3A_673 : memref<10000x128xf32, #tpu.memory_space<vmem_shared>>) offsets(%dma_start3A_670 : memref<80xi32, #tpu.memory_space<vmem>>) semaphore(%arg15 : memref<!tpu.dma_semaphore, #tpu.memory_space<semaphore_mem>>) {add = true}
    %dma_wait3A_674 = arith.constant 0 : i32
    %dma_wait3A_675 = arith.constant 0 : i32
    %dma_wait3A_676 = arith.constant 0 : i32
    %dma_wait3A_677 = arith.constant 0 : i32
    %dma_wait3A_678 = arith.constant 0 : i32
    %dma_wait3A_679 = tpu.memref_slice %arg6[%dma_wait3A_674, %dma_wait3A_677, %dma_wait3A_678] : memref<4x80x128xf32, #tpu.memory_space<vmem>> -> memref<1x80x128xf32, #tpu.memory_space<vmem>>
    %dma_wait3A_680 = tpu.memref_squeeze %dma_wait3A_679 : memref<1x80x128xf32, #tpu.memory_space<vmem>> -> memref<80x128xf32, #tpu.memory_space<vmem>>
    %dma_wait3A_681 = arith.constant 0 : i32
    %dma_wait3A_682 = tpu.memref_slice %arg7[%dma_wait3A_675, %dma_wait3A_676, %dma_wait3A_681] : memref<4x1x80xi32, #tpu.memory_space<vmem>> -> memref<1x1x80xi32, #tpu.memory_space<vmem>>
    %dma_wait3A_683 = tpu.memref_squeeze %dma_wait3A_682 : memref<1x1x80xi32, #tpu.memory_space<vmem>> -> memref<80xi32, #tpu.memory_space<vmem>>
    %dma_wait3A_684 = arith.constant 0 : i32
    %dma_wait3A_685 = arith.constant 0 : i32
    %dma_wait3A_686 = tpu.memref_slice %arg8[%dma_wait3A_684, %dma_wait3A_685] : memref<10000x128xf32, #tpu.memory_space<vmem_shared>> -> memref<10000x128xf32, #tpu.memory_space<vmem_shared>>
    tpu.wait_indirect_dma semaphore(%arg13 : memref<!tpu.dma_semaphore, #tpu.memory_space<semaphore_mem>>) src(%dma_wait3A_680 : memref<80x128xf32, #tpu.memory_space<vmem>>) dst(%dma_wait3A_686 : memref<10000x128xf32, #tpu.memory_space<vmem_shared>>)
    %add3A_687 = arith.constant 9920 : i32
    %add3A_688 = arith.addi %mul3A_2, %add3A_687 : i32
    %dma_start3A_689 = arith.constant 0 : i32
    %dma_start3A_690 = arith.constant 0 : i32
    %dma_start3A_691 = arith.constant 0 : i32
    %dma_start3A_692 = tpu.memref_slice %arg6[%dma_start3A_689, %dma_start3A_690, %dma_start3A_691] : memref<4x80x128xf32, #tpu.memory_space<vmem>> -> memref<1x80x128xf32, #tpu.memory_space<vmem>>
    %dma_start3A_693 = tpu.memref_squeeze %dma_start3A_692 : memref<1x80x128xf32, #tpu.memory_space<vmem>> -> memref<80x128xf32, #tpu.memory_space<vmem>>
    %dma_start3A_694 = arith.constant 0 : i32
    %dma_start3A_695 = tpu.memref_slice %arg2[%add3A_688, %dma_start3A_694] : memref<320000x128xf32, #tpu.memory_space<hbm>> -> memref<80x128xf32, #tpu.memory_space<hbm>>
    %dma_start3A_696 = arith.constant 0 : i32
    %dma_start3A_697 = arith.constant 0 : i32
    %dma_start3A_698 = tpu.memref_slice %arg6[%dma_start3A_689, %dma_start3A_696, %dma_start3A_697] : memref<4x80x128xf32, #tpu.memory_space<vmem>> -> memref<1x80x128xf32, #tpu.memory_space<vmem>>
    %dma_start3A_699 = tpu.memref_squeeze %dma_start3A_698 : memref<1x80x128xf32, #tpu.memory_space<vmem>> -> memref<80x128xf32, #tpu.memory_space<vmem>>
    %dma_start3A_700 = arith.constant 0 : i32
    %dma_start3A_701 = tpu.memref_slice %arg2[%add3A_688, %dma_start3A_700] : memref<320000x128xf32, #tpu.memory_space<hbm>> -> memref<80x128xf32, #tpu.memory_space<hbm>>
    tpu.enqueue_dma source(%dma_start3A_701 : memref<80x128xf32, #tpu.memory_space<hbm>>) target(%dma_start3A_699 : memref<80x128xf32, #tpu.memory_space<vmem>>) target_semaphore(%arg9 : memref<!tpu.dma_semaphore, #tpu.memory_space<semaphore_mem>>)
    %mul3A_702 = arith.constant 125 : i32
    %mul3A_703 = arith.muli %add3A, %mul3A_702 : i32
    %add3A_704 = arith.constant 124 : i32
    %add3A_705 = arith.addi %mul3A_703, %add3A_704 : i32
    %dma_start3A_706 = arith.constant 0 : i32
    %dma_start3A_707 = arith.constant 0 : i32
    %dma_start3A_708 = arith.constant 0 : i32
    %dma_start3A_709 = tpu.memref_slice %arg7[%dma_start3A_706, %dma_start3A_707, %dma_start3A_708] : memref<4x1x80xi32, #tpu.memory_space<vmem>> -> memref<1x1x80xi32, #tpu.memory_space<vmem>>
    %dma_start3A_710 = tpu.memref_squeeze %dma_start3A_709 : memref<1x1x80xi32, #tpu.memory_space<vmem>> -> memref<1x80xi32, #tpu.memory_space<vmem>>
    %dma_start3A_711 = arith.constant 0 : i32
    %dma_start3A_712 = arith.constant 0 : i32
    %dma_start3A_713 = tpu.memref_slice %arg3[%add3A_705, %dma_start3A_711, %dma_start3A_712] : memref<4000x1x80xi32, #tpu.memory_space<hbm>> -> memref<1x1x80xi32, #tpu.memory_space<hbm>>
    %dma_start3A_714 = tpu.memref_squeeze %dma_start3A_713 : memref<1x1x80xi32, #tpu.memory_space<hbm>> -> memref<1x80xi32, #tpu.memory_space<hbm>>
    %dma_start3A_715 = arith.constant 0 : i32
    %dma_start3A_716 = arith.constant 0 : i32
    %dma_start3A_717 = tpu.memref_slice %arg7[%dma_start3A_706, %dma_start3A_715, %dma_start3A_716] : memref<4x1x80xi32, #tpu.memory_space<vmem>> -> memref<1x1x80xi32, #tpu.memory_space<vmem>>
    %dma_start3A_718 = tpu.memref_squeeze %dma_start3A_717 : memref<1x1x80xi32, #tpu.memory_space<vmem>> -> memref<1x80xi32, #tpu.memory_space<vmem>>
    %dma_start3A_719 = arith.constant 0 : i32
    %dma_start3A_720 = arith.constant 0 : i32
    %dma_start3A_721 = tpu.memref_slice %arg3[%add3A_705, %dma_start3A_719, %dma_start3A_720] : memref<4000x1x80xi32, #tpu.memory_space<hbm>> -> memref<1x1x80xi32, #tpu.memory_space<hbm>>
    %dma_start3A_722 = tpu.memref_squeeze %dma_start3A_721 : memref<1x1x80xi32, #tpu.memory_space<hbm>> -> memref<1x80xi32, #tpu.memory_space<hbm>>
    tpu.enqueue_dma source(%dma_start3A_722 : memref<1x80xi32, #tpu.memory_space<hbm>>) target(%dma_start3A_718 : memref<1x80xi32, #tpu.memory_space<vmem>>) target_semaphore(%arg9 : memref<!tpu.dma_semaphore, #tpu.memory_space<semaphore_mem>>)
    %dma_wait3A_723 = arith.constant 3 : i32
    %dma_wait3A_724 = arith.constant 0 : i32
    %dma_wait3A_725 = arith.constant 0 : i32
    %dma_wait3A_726 = tpu.memref_slice %arg6[%dma_wait3A_723, %dma_wait3A_724, %dma_wait3A_725] : memref<4x80x128xf32, #tpu.memory_space<vmem>> -> memref<1x80x128xf32, #tpu.memory_space<vmem>>
    %dma_wait3A_727 = tpu.memref_squeeze %dma_wait3A_726 : memref<1x80x128xf32, #tpu.memory_space<vmem>> -> memref<80x128xf32, #tpu.memory_space<vmem>>
    %dma_wait3A_728 = arith.constant 0 : i32
    %dma_wait3A_729 = arith.constant 0 : i32
    %dma_wait3A_730 = tpu.memref_slice %arg2[%dma_wait3A_728, %dma_wait3A_729] : memref<320000x128xf32, #tpu.memory_space<hbm>> -> memref<80x128xf32, #tpu.memory_space<hbm>>
    %dma_wait3A_731 = arith.constant 0 : i32
    %dma_wait3A_732 = arith.constant 0 : i32
    %dma_wait3A_733 = tpu.memref_slice %arg6[%dma_wait3A_723, %dma_wait3A_731, %dma_wait3A_732] : memref<4x80x128xf32, #tpu.memory_space<vmem>> -> memref<1x80x128xf32, #tpu.memory_space<vmem>>
    %dma_wait3A_734 = tpu.memref_squeeze %dma_wait3A_733 : memref<1x80x128xf32, #tpu.memory_space<vmem>> -> memref<80x128xf32, #tpu.memory_space<vmem>>
    %dma_wait3A_735 = arith.constant 0 : i32
    %dma_wait3A_736 = arith.constant 0 : i32
    %dma_wait3A_737 = tpu.memref_slice %arg2[%dma_wait3A_735, %dma_wait3A_736] : memref<320000x128xf32, #tpu.memory_space<hbm>> -> memref<80x128xf32, #tpu.memory_space<hbm>>
    tpu.wait_dma2 semaphore(%arg12 : memref<!tpu.dma_semaphore, #tpu.memory_space<semaphore_mem>>) src(%dma_wait3A_737 : memref<80x128xf32, #tpu.memory_space<hbm>>) dst(%dma_wait3A_734 : memref<80x128xf32, #tpu.memory_space<vmem>>)
    %dma_wait3A_738 = arith.constant 0 : i32
    %dma_wait3A_739 = arith.constant 3 : i32
    %dma_wait3A_740 = arith.constant 0 : i32
    %dma_wait3A_741 = arith.constant 0 : i32
    %dma_wait3A_742 = tpu.memref_slice %arg7[%dma_wait3A_739, %dma_wait3A_740, %dma_wait3A_741] : memref<4x1x80xi32, #tpu.memory_space<vmem>> -> memref<1x1x80xi32, #tpu.memory_space<vmem>>
    %dma_wait3A_743 = tpu.memref_squeeze %dma_wait3A_742 : memref<1x1x80xi32, #tpu.memory_space<vmem>> -> memref<1x80xi32, #tpu.memory_space<vmem>>
    %dma_wait3A_744 = arith.constant 0 : i32
    %dma_wait3A_745 = arith.constant 0 : i32
    %dma_wait3A_746 = tpu.memref_slice %arg3[%dma_wait3A_738, %dma_wait3A_744, %dma_wait3A_745] : memref<4000x1x80xi32, #tpu.memory_space<hbm>> -> memref<1x1x80xi32, #tpu.memory_space<hbm>>
    %dma_wait3A_747 = tpu.memref_squeeze %dma_wait3A_746 : memref<1x1x80xi32, #tpu.memory_space<hbm>> -> memref<1x80xi32, #tpu.memory_space<hbm>>
    %dma_wait3A_748 = arith.constant 0 : i32
    %dma_wait3A_749 = arith.constant 0 : i32
    %dma_wait3A_750 = tpu.memref_slice %arg7[%dma_wait3A_739, %dma_wait3A_748, %dma_wait3A_749] : memref<4x1x80xi32, #tpu.memory_space<vmem>> -> memref<1x1x80xi32, #tpu.memory_space<vmem>>
    %dma_wait3A_751 = tpu.memref_squeeze %dma_wait3A_750 : memref<1x1x80xi32, #tpu.memory_space<vmem>> -> memref<1x80xi32, #tpu.memory_space<vmem>>
    %dma_wait3A_752 = arith.constant 0 : i32
    %dma_wait3A_753 = arith.constant 0 : i32
    %dma_wait3A_754 = tpu.memref_slice %arg3[%dma_wait3A_738, %dma_wait3A_752, %dma_wait3A_753] : memref<4000x1x80xi32, #tpu.memory_space<hbm>> -> memref<1x1x80xi32, #tpu.memory_space<hbm>>
    %dma_wait3A_755 = tpu.memref_squeeze %dma_wait3A_754 : memref<1x1x80xi32, #tpu.memory_space<hbm>> -> memref<1x80xi32, #tpu.memory_space<hbm>>
    tpu.wait_dma2 semaphore(%arg12 : memref<!tpu.dma_semaphore, #tpu.memory_space<semaphore_mem>>) src(%dma_wait3A_755 : memref<1x80xi32, #tpu.memory_space<hbm>>) dst(%dma_wait3A_751 : memref<1x80xi32, #tpu.memory_space<vmem>>)
    %dma_start3A_756 = arith.constant 3 : i32
    %dma_start3A_757 = arith.constant 3 : i32
    %dma_start3A_758 = arith.constant 0 : i32
    %dma_start3A_759 = arith.constant 0 : i32
    %dma_start3A_760 = arith.constant 0 : i32
    %dma_start3A_761 = tpu.memref_slice %arg6[%dma_start3A_756, %dma_start3A_759, %dma_start3A_760] : memref<4x80x128xf32, #tpu.memory_space<vmem>> -> memref<1x80x128xf32, #tpu.memory_space<vmem>>
    %dma_start3A_762 = tpu.memref_squeeze %dma_start3A_761 : memref<1x80x128xf32, #tpu.memory_space<vmem>> -> memref<80x128xf32, #tpu.memory_space<vmem>>
    %dma_start3A_763 = arith.constant 0 : i32
    %dma_start3A_764 = tpu.memref_slice %arg7[%dma_start3A_757, %dma_start3A_758, %dma_start3A_763] : memref<4x1x80xi32, #tpu.memory_space<vmem>> -> memref<1x1x80xi32, #tpu.memory_space<vmem>>
    %dma_start3A_765 = tpu.memref_squeeze %dma_start3A_764 : memref<1x1x80xi32, #tpu.memory_space<vmem>> -> memref<80xi32, #tpu.memory_space<vmem>>
    %dma_start3A_766 = arith.constant 0 : i32
    %dma_start3A_767 = arith.constant 0 : i32
    %dma_start3A_768 = tpu.memref_slice %arg8[%dma_start3A_766, %dma_start3A_767] : memref<10000x128xf32, #tpu.memory_space<vmem_shared>> -> memref<10000x128xf32, #tpu.memory_space<vmem_shared>>
    tpu.enqueue_indirect_dma source(%dma_start3A_762 : memref<80x128xf32, #tpu.memory_space<vmem>>) target(%dma_start3A_768 : memref<10000x128xf32, #tpu.memory_space<vmem_shared>>) offsets(%dma_start3A_765 : memref<80xi32, #tpu.memory_space<vmem>>) semaphore(%arg16 : memref<!tpu.dma_semaphore, #tpu.memory_space<semaphore_mem>>) {add = true}
    %dma_wait3A_769 = arith.constant 1 : i32
    %dma_wait3A_770 = arith.constant 1 : i32
    %dma_wait3A_771 = arith.constant 0 : i32
    %dma_wait3A_772 = arith.constant 0 : i32
    %dma_wait3A_773 = arith.constant 0 : i32
    %dma_wait3A_774 = tpu.memref_slice %arg6[%dma_wait3A_769, %dma_wait3A_772, %dma_wait3A_773] : memref<4x80x128xf32, #tpu.memory_space<vmem>> -> memref<1x80x128xf32, #tpu.memory_space<vmem>>
    %dma_wait3A_775 = tpu.memref_squeeze %dma_wait3A_774 : memref<1x80x128xf32, #tpu.memory_space<vmem>> -> memref<80x128xf32, #tpu.memory_space<vmem>>
    %dma_wait3A_776 = arith.constant 0 : i32
    %dma_wait3A_777 = tpu.memref_slice %arg7[%dma_wait3A_770, %dma_wait3A_771, %dma_wait3A_776] : memref<4x1x80xi32, #tpu.memory_space<vmem>> -> memref<1x1x80xi32, #tpu.memory_space<vmem>>
    %dma_wait3A_778 = tpu.memref_squeeze %dma_wait3A_777 : memref<1x1x80xi32, #tpu.memory_space<vmem>> -> memref<80xi32, #tpu.memory_space<vmem>>
    %dma_wait3A_779 = arith.constant 0 : i32
    %dma_wait3A_780 = arith.constant 0 : i32
    %dma_wait3A_781 = tpu.memref_slice %arg8[%dma_wait3A_779, %dma_wait3A_780] : memref<10000x128xf32, #tpu.memory_space<vmem_shared>> -> memref<10000x128xf32, #tpu.memory_space<vmem_shared>>
    tpu.wait_indirect_dma semaphore(%arg14 : memref<!tpu.dma_semaphore, #tpu.memory_space<semaphore_mem>>) src(%dma_wait3A_775 : memref<80x128xf32, #tpu.memory_space<vmem>>) dst(%dma_wait3A_781 : memref<10000x128xf32, #tpu.memory_space<vmem_shared>>)
    %dma_wait3A_782 = arith.constant 0 : i32
    %dma_wait3A_783 = arith.constant 0 : i32
    %dma_wait3A_784 = arith.constant 0 : i32
    %dma_wait3A_785 = tpu.memref_slice %arg6[%dma_wait3A_782, %dma_wait3A_783, %dma_wait3A_784] : memref<4x80x128xf32, #tpu.memory_space<vmem>> -> memref<1x80x128xf32, #tpu.memory_space<vmem>>
    %dma_wait3A_786 = tpu.memref_squeeze %dma_wait3A_785 : memref<1x80x128xf32, #tpu.memory_space<vmem>> -> memref<80x128xf32, #tpu.memory_space<vmem>>
    %dma_wait3A_787 = arith.constant 0 : i32
    %dma_wait3A_788 = arith.constant 0 : i32
    %dma_wait3A_789 = tpu.memref_slice %arg2[%dma_wait3A_787, %dma_wait3A_788] : memref<320000x128xf32, #tpu.memory_space<hbm>> -> memref<80x128xf32, #tpu.memory_space<hbm>>
    %dma_wait3A_790 = arith.constant 0 : i32
    %dma_wait3A_791 = arith.constant 0 : i32
    %dma_wait3A_792 = tpu.memref_slice %arg6[%dma_wait3A_782, %dma_wait3A_790, %dma_wait3A_791] : memref<4x80x128xf32, #tpu.memory_space<vmem>> -> memref<1x80x128xf32, #tpu.memory_space<vmem>>
    %dma_wait3A_793 = tpu.memref_squeeze %dma_wait3A_792 : memref<1x80x128xf32, #tpu.memory_space<vmem>> -> memref<80x128xf32, #tpu.memory_space<vmem>>
    %dma_wait3A_794 = arith.constant 0 : i32
    %dma_wait3A_795 = arith.constant 0 : i32
    %dma_wait3A_796 = tpu.memref_slice %arg2[%dma_wait3A_794, %dma_wait3A_795] : memref<320000x128xf32, #tpu.memory_space<hbm>> -> memref<80x128xf32, #tpu.memory_space<hbm>>
    tpu.wait_dma2 semaphore(%arg9 : memref<!tpu.dma_semaphore, #tpu.memory_space<semaphore_mem>>) src(%dma_wait3A_796 : memref<80x128xf32, #tpu.memory_space<hbm>>) dst(%dma_wait3A_793 : memref<80x128xf32, #tpu.memory_space<vmem>>)
    %dma_wait3A_797 = arith.constant 0 : i32
    %dma_wait3A_798 = arith.constant 0 : i32
    %dma_wait3A_799 = arith.constant 0 : i32
    %dma_wait3A_800 = arith.constant 0 : i32
    %dma_wait3A_801 = tpu.memref_slice %arg7[%dma_wait3A_798, %dma_wait3A_799, %dma_wait3A_800] : memref<4x1x80xi32, #tpu.memory_space<vmem>> -> memref<1x1x80xi32, #tpu.memory_space<vmem>>
    %dma_wait3A_802 = tpu.memref_squeeze %dma_wait3A_801 : memref<1x1x80xi32, #tpu.memory_space<vmem>> -> memref<1x80xi32, #tpu.memory_space<vmem>>
    %dma_wait3A_803 = arith.constant 0 : i32
    %dma_wait3A_804 = arith.constant 0 : i32
    %dma_wait3A_805 = tpu.memref_slice %arg3[%dma_wait3A_797, %dma_wait3A_803, %dma_wait3A_804] : memref<4000x1x80xi32, #tpu.memory_space<hbm>> -> memref<1x1x80xi32, #tpu.memory_space<hbm>>
    %dma_wait3A_806 = tpu.memref_squeeze %dma_wait3A_805 : memref<1x1x80xi32, #tpu.memory_space<hbm>> -> memref<1x80xi32, #tpu.memory_space<hbm>>
    %dma_wait3A_807 = arith.constant 0 : i32
    %dma_wait3A_808 = arith.constant 0 : i32
    %dma_wait3A_809 = tpu.memref_slice %arg7[%dma_wait3A_798, %dma_wait3A_807, %dma_wait3A_808] : memref<4x1x80xi32, #tpu.memory_space<vmem>> -> memref<1x1x80xi32, #tpu.memory_space<vmem>>
    %dma_wait3A_810 = tpu.memref_squeeze %dma_wait3A_809 : memref<1x1x80xi32, #tpu.memory_space<vmem>> -> memref<1x80xi32, #tpu.memory_space<vmem>>
    %dma_wait3A_811 = arith.constant 0 : i32
    %dma_wait3A_812 = arith.constant 0 : i32
    %dma_wait3A_813 = tpu.memref_slice %arg3[%dma_wait3A_797, %dma_wait3A_811, %dma_wait3A_812] : memref<4000x1x80xi32, #tpu.memory_space<hbm>> -> memref<1x1x80xi32, #tpu.memory_space<hbm>>
    %dma_wait3A_814 = tpu.memref_squeeze %dma_wait3A_813 : memref<1x1x80xi32, #tpu.memory_space<hbm>> -> memref<1x80xi32, #tpu.memory_space<hbm>>
    tpu.wait_dma2 semaphore(%arg9 : memref<!tpu.dma_semaphore, #tpu.memory_space<semaphore_mem>>) src(%dma_wait3A_814 : memref<1x80xi32, #tpu.memory_space<hbm>>) dst(%dma_wait3A_810 : memref<1x80xi32, #tpu.memory_space<vmem>>)
    %dma_start3A_815 = arith.constant 0 : i32
    %dma_start3A_816 = arith.constant 0 : i32
    %dma_start3A_817 = arith.constant 0 : i32
    %dma_start3A_818 = arith.constant 0 : i32
    %dma_start3A_819 = arith.constant 0 : i32
    %dma_start3A_820 = tpu.memref_slice %arg6[%dma_start3A_815, %dma_start3A_818, %dma_start3A_819] : memref<4x80x128xf32, #tpu.memory_space<vmem>> -> memref<1x80x128xf32, #tpu.memory_space<vmem>>
    %dma_start3A_821 = tpu.memref_squeeze %dma_start3A_820 : memref<1x80x128xf32, #tpu.memory_space<vmem>> -> memref<80x128xf32, #tpu.memory_space<vmem>>
    %dma_start3A_822 = arith.constant 0 : i32
    %dma_start3A_823 = tpu.memref_slice %arg7[%dma_start3A_816, %dma_start3A_817, %dma_start3A_822] : memref<4x1x80xi32, #tpu.memory_space<vmem>> -> memref<1x1x80xi32, #tpu.memory_space<vmem>>
    %dma_start3A_824 = tpu.memref_squeeze %dma_start3A_823 : memref<1x1x80xi32, #tpu.memory_space<vmem>> -> memref<80xi32, #tpu.memory_space<vmem>>
    %dma_start3A_825 = arith.constant 0 : i32
    %dma_start3A_826 = arith.constant 0 : i32
    %dma_start3A_827 = tpu.memref_slice %arg8[%dma_start3A_825, %dma_start3A_826] : memref<10000x128xf32, #tpu.memory_space<vmem_shared>> -> memref<10000x128xf32, #tpu.memory_space<vmem_shared>>
    tpu.enqueue_indirect_dma source(%dma_start3A_821 : memref<80x128xf32, #tpu.memory_space<vmem>>) target(%dma_start3A_827 : memref<10000x128xf32, #tpu.memory_space<vmem_shared>>) offsets(%dma_start3A_824 : memref<80xi32, #tpu.memory_space<vmem>>) semaphore(%arg13 : memref<!tpu.dma_semaphore, #tpu.memory_space<semaphore_mem>>) {add = true}
    %dma_wait3A_828 = arith.constant 2 : i32
    %dma_wait3A_829 = arith.constant 2 : i32
    %dma_wait3A_830 = arith.constant 0 : i32
    %dma_wait3A_831 = arith.constant 0 : i32
    %dma_wait3A_832 = arith.constant 0 : i32
    %dma_wait3A_833 = tpu.memref_slice %arg6[%dma_wait3A_828, %dma_wait3A_831, %dma_wait3A_832] : memref<4x80x128xf32, #tpu.memory_space<vmem>> -> memref<1x80x128xf32, #tpu.memory_space<vmem>>
    %dma_wait3A_834 = tpu.memref_squeeze %dma_wait3A_833 : memref<1x80x128xf32, #tpu.memory_space<vmem>> -> memref<80x128xf32, #tpu.memory_space<vmem>>
    %dma_wait3A_835 = arith.constant 0 : i32
    %dma_wait3A_836 = tpu.memref_slice %arg7[%dma_wait3A_829, %dma_wait3A_830, %dma_wait3A_835] : memref<4x1x80xi32, #tpu.memory_space<vmem>> -> memref<1x1x80xi32, #tpu.memory_space<vmem>>
    %dma_wait3A_837 = tpu.memref_squeeze %dma_wait3A_836 : memref<1x1x80xi32, #tpu.memory_space<vmem>> -> memref<80xi32, #tpu.memory_space<vmem>>
    %dma_wait3A_838 = arith.constant 0 : i32
    %dma_wait3A_839 = arith.constant 0 : i32
    %dma_wait3A_840 = tpu.memref_slice %arg8[%dma_wait3A_838, %dma_wait3A_839] : memref<10000x128xf32, #tpu.memory_space<vmem_shared>> -> memref<10000x128xf32, #tpu.memory_space<vmem_shared>>
    tpu.wait_indirect_dma semaphore(%arg15 : memref<!tpu.dma_semaphore, #tpu.memory_space<semaphore_mem>>) src(%dma_wait3A_834 : memref<80x128xf32, #tpu.memory_space<vmem>>) dst(%dma_wait3A_840 : memref<10000x128xf32, #tpu.memory_space<vmem_shared>>)
    %dma_wait3A_841 = arith.constant 3 : i32
    %dma_wait3A_842 = arith.constant 3 : i32
    %dma_wait3A_843 = arith.constant 0 : i32
    %dma_wait3A_844 = arith.constant 0 : i32
    %dma_wait3A_845 = arith.constant 0 : i32
    %dma_wait3A_846 = tpu.memref_slice %arg6[%dma_wait3A_841, %dma_wait3A_844, %dma_wait3A_845] : memref<4x80x128xf32, #tpu.memory_space<vmem>> -> memref<1x80x128xf32, #tpu.memory_space<vmem>>
    %dma_wait3A_847 = tpu.memref_squeeze %dma_wait3A_846 : memref<1x80x128xf32, #tpu.memory_space<vmem>> -> memref<80x128xf32, #tpu.memory_space<vmem>>
    %dma_wait3A_848 = arith.constant 0 : i32
    %dma_wait3A_849 = tpu.memref_slice %arg7[%dma_wait3A_842, %dma_wait3A_843, %dma_wait3A_848] : memref<4x1x80xi32, #tpu.memory_space<vmem>> -> memref<1x1x80xi32, #tpu.memory_space<vmem>>
    %dma_wait3A_850 = tpu.memref_squeeze %dma_wait3A_849 : memref<1x1x80xi32, #tpu.memory_space<vmem>> -> memref<80xi32, #tpu.memory_space<vmem>>
    %dma_wait3A_851 = arith.constant 0 : i32
    %dma_wait3A_852 = arith.constant 0 : i32
    %dma_wait3A_853 = tpu.memref_slice %arg8[%dma_wait3A_851, %dma_wait3A_852] : memref<10000x128xf32, #tpu.memory_space<vmem_shared>> -> memref<10000x128xf32, #tpu.memory_space<vmem_shared>>
    tpu.wait_indirect_dma semaphore(%arg16 : memref<!tpu.dma_semaphore, #tpu.memory_space<semaphore_mem>>) src(%dma_wait3A_847 : memref<80x128xf32, #tpu.memory_space<vmem>>) dst(%dma_wait3A_853 : memref<10000x128xf32, #tpu.memory_space<vmem_shared>>)
    %dma_wait3A_854 = arith.constant 0 : i32
    %dma_wait3A_855 = arith.constant 0 : i32
    %dma_wait3A_856 = arith.constant 0 : i32
    %dma_wait3A_857 = arith.constant 0 : i32
    %dma_wait3A_858 = arith.constant 0 : i32
    %dma_wait3A_859 = tpu.memref_slice %arg6[%dma_wait3A_854, %dma_wait3A_857, %dma_wait3A_858] : memref<4x80x128xf32, #tpu.memory_space<vmem>> -> memref<1x80x128xf32, #tpu.memory_space<vmem>>
    %dma_wait3A_860 = tpu.memref_squeeze %dma_wait3A_859 : memref<1x80x128xf32, #tpu.memory_space<vmem>> -> memref<80x128xf32, #tpu.memory_space<vmem>>
    %dma_wait3A_861 = arith.constant 0 : i32
    %dma_wait3A_862 = tpu.memref_slice %arg7[%dma_wait3A_855, %dma_wait3A_856, %dma_wait3A_861] : memref<4x1x80xi32, #tpu.memory_space<vmem>> -> memref<1x1x80xi32, #tpu.memory_space<vmem>>
    %dma_wait3A_863 = tpu.memref_squeeze %dma_wait3A_862 : memref<1x1x80xi32, #tpu.memory_space<vmem>> -> memref<80xi32, #tpu.memory_space<vmem>>
    %dma_wait3A_864 = arith.constant 0 : i32
    %dma_wait3A_865 = arith.constant 0 : i32
    %dma_wait3A_866 = tpu.memref_slice %arg8[%dma_wait3A_864, %dma_wait3A_865] : memref<10000x128xf32, #tpu.memory_space<vmem_shared>> -> memref<10000x128xf32, #tpu.memory_space<vmem_shared>>
    tpu.wait_indirect_dma semaphore(%arg13 : memref<!tpu.dma_semaphore, #tpu.memory_space<semaphore_mem>>) src(%dma_wait3A_860 : memref<80x128xf32, #tpu.memory_space<vmem>>) dst(%dma_wait3A_866 : memref<10000x128xf32, #tpu.memory_space<vmem_shared>>)
    %barrier3A_867 = arith.constant 0 : index
    tpu.barrier barrier_id(%barrier3A_867)
    %lt3A_868 = arith.constant 15 : i32
    %lt3A_869 = arith.cmpi slt, %arg1, %lt3A_868 : i32
    %convert_element_type3A_870 = arith.extui %lt3A_869 : i1 to i32
    %cond3A_871 = arith.constant 0 : i32
    %cond3A_872 = arith.cmpi ne, %convert_element_type3A_870, %cond3A_871 : i32
    scf.if %cond3A_872 {
      %mul3A_878 = arith.constant 624 : i32
      %mul3A_879 = arith.muli %arg1, %mul3A_878 : i32
      %mul3A_880 = arith.constant 624 : i32
      %mul3A_881 = arith.muli %arg1, %mul3A_880 : i32
      "tpu.region"() ({
        %run_scoped3A = tpu.sem_alloc : memref<!tpu.dma_semaphore, #tpu.memory_space<semaphore_mem>>
        %dma_start3A_882 = arith.constant 0 : i32
        %dma_start3A_883 = tpu.memref_slice %arg5[%arg0, %mul3A_881, %dma_start3A_882] : memref<2x10000x128xf32, #tpu.memory_space<hbm>> -> memref<1x624x128xf32, #tpu.memory_space<hbm>>
        %dma_start3A_884 = tpu.memref_squeeze %dma_start3A_883 : memref<1x624x128xf32, #tpu.memory_space<hbm>> -> memref<624x128xf32, #tpu.memory_space<hbm>>
        %dma_start3A_885 = arith.constant 0 : i32
        %dma_start3A_886 = tpu.memref_slice %arg8[%mul3A_879, %dma_start3A_885] : memref<10000x128xf32, #tpu.memory_space<vmem_shared>> -> memref<624x128xf32, #tpu.memory_space<vmem_shared>>
        tpu.enqueue_dma source(%dma_start3A_886 : memref<624x128xf32, #tpu.memory_space<vmem_shared>>) target(%dma_start3A_884 : memref<624x128xf32, #tpu.memory_space<hbm>>) target_semaphore(%run_scoped3A : memref<!tpu.dma_semaphore, #tpu.memory_space<semaphore_mem>>)
        %dma_wait3A_887 = arith.constant 0 : i32
        %dma_wait3A_888 = tpu.memref_slice %arg5[%arg0, %mul3A_881, %dma_wait3A_887] : memref<2x10000x128xf32, #tpu.memory_space<hbm>> -> memref<1x624x128xf32, #tpu.memory_space<hbm>>
        %dma_wait3A_889 = tpu.memref_squeeze %dma_wait3A_888 : memref<1x624x128xf32, #tpu.memory_space<hbm>> -> memref<624x128xf32, #tpu.memory_space<hbm>>
        %dma_wait3A_890 = arith.constant 0 : i32
        %dma_wait3A_891 = tpu.memref_slice %arg8[%mul3A_879, %dma_wait3A_890] : memref<10000x128xf32, #tpu.memory_space<vmem_shared>> -> memref<624x128xf32, #tpu.memory_space<vmem_shared>>
        tpu.wait_dma2 semaphore(%run_scoped3A : memref<!tpu.dma_semaphore, #tpu.memory_space<semaphore_mem>>) src(%dma_wait3A_891 : memref<624x128xf32, #tpu.memory_space<vmem_shared>>) dst(%dma_wait3A_889 : memref<624x128xf32, #tpu.memory_space<hbm>>)
        tpu.yield
      }) : () -> ()
    } else {
    }
    %eq3A_873 = arith.constant 15 : i32
    %eq3A_874 = arith.cmpi eq, %arg1, %eq3A_873 : i32
    %convert_element_type3A_875 = arith.extui %eq3A_874 : i1 to i32
    %cond3A_876 = arith.constant 0 : i32
    %cond3A_877 = arith.cmpi ne, %convert_element_type3A_875, %cond3A_876 : i32
    scf.if %cond3A_877 {
      "tpu.region"() ({
        %run_scoped3A = tpu.sem_alloc : memref<!tpu.dma_semaphore, #tpu.memory_space<semaphore_mem>>
        %dma_start3A_878 = arith.constant 9360 : i32
        %dma_start3A_879 = arith.constant 0 : i32
        %dma_start3A_880 = tpu.memref_slice %arg5[%arg0, %dma_start3A_878, %dma_start3A_879] : memref<2x10000x128xf32, #tpu.memory_space<hbm>> -> memref<1x640x128xf32, #tpu.memory_space<hbm>>
        %dma_start3A_881 = tpu.memref_squeeze %dma_start3A_880 : memref<1x640x128xf32, #tpu.memory_space<hbm>> -> memref<640x128xf32, #tpu.memory_space<hbm>>
        %dma_start3A_882 = arith.constant 9360 : i32
        %dma_start3A_883 = arith.constant 0 : i32
        %dma_start3A_884 = tpu.memref_slice %arg8[%dma_start3A_882, %dma_start3A_883] : memref<10000x128xf32, #tpu.memory_space<vmem_shared>> -> memref<640x128xf32, #tpu.memory_space<vmem_shared>>
        tpu.enqueue_dma source(%dma_start3A_884 : memref<640x128xf32, #tpu.memory_space<vmem_shared>>) target(%dma_start3A_881 : memref<640x128xf32, #tpu.memory_space<hbm>>) target_semaphore(%run_scoped3A : memref<!tpu.dma_semaphore, #tpu.memory_space<semaphore_mem>>)
        %dma_wait3A_885 = arith.constant 9360 : i32
        %dma_wait3A_886 = arith.constant 0 : i32
        %dma_wait3A_887 = tpu.memref_slice %arg5[%arg0, %dma_wait3A_885, %dma_wait3A_886] : memref<2x10000x128xf32, #tpu.memory_space<hbm>> -> memref<1x640x128xf32, #tpu.memory_space<hbm>>
        %dma_wait3A_888 = tpu.memref_squeeze %dma_wait3A_887 : memref<1x640x128xf32, #tpu.memory_space<hbm>> -> memref<640x128xf32, #tpu.memory_space<hbm>>
        %dma_wait3A_889 = arith.constant 9360 : i32
        %dma_wait3A_890 = arith.constant 0 : i32
        %dma_wait3A_891 = tpu.memref_slice %arg8[%dma_wait3A_889, %dma_wait3A_890] : memref<10000x128xf32, #tpu.memory_space<vmem_shared>> -> memref<640x128xf32, #tpu.memory_space<vmem_shared>>
        tpu.wait_dma2 semaphore(%run_scoped3A : memref<!tpu.dma_semaphore, #tpu.memory_space<semaphore_mem>>) src(%dma_wait3A_891 : memref<640x128xf32, #tpu.memory_space<vmem_shared>>) dst(%dma_wait3A_888 : memref<640x128xf32, #tpu.memory_space<hbm>>)
        tpu.yield
      }) : () -> ()
    } else {
    }
    return
  }
}

module attributes {stable_mosaic.version = 14 : i64} {
  func.func @body(%arg0: i32, %arg1: memref<2x2000x128xf32, #tpu.memory_space<vmem>>, %arg2: memref<2000x128xf32, #tpu.memory_space<vmem>>, %arg3: memref<128x128xf32, #tpu.memory_space<vmem>>, %arg4: memref<128x128xf32, #tpu.memory_space<vmem>>, %arg5: memref<128x128xf32, #tpu.memory_space<vmem>>, %arg6: memref<128x64xf32, #tpu.memory_space<vmem>>, %arg7: memref<1x64xf32, #tpu.memory_space<vmem>>, %arg8: memref<2000x64xf32, #tpu.memory_space<vmem>>, %arg9: memref<2000x128xf32, #tpu.memory_space<vmem>>) attributes {dimension_semantics = [#tpu.dimension_semantics<arbitrary>], iteration_bounds = array<i64: 5>, scalar_prefetch = 0 : i64, scratch_operands = 0 : i64, tpu.core_type = #tpu.core_type<tc>, window_params = [{transform_indices = @transform_0, window_bounds = array<i64: 2, 2000, 128>}, {transform_indices = @transform_1, window_bounds = array<i64: 2000, 128>}, {pipeline_mode = #tpu.pipeline_mode<synchronous>, transform_indices = @transform_2, window_bounds = array<i64: 128, 128>}, {pipeline_mode = #tpu.pipeline_mode<synchronous>, transform_indices = @transform_3, window_bounds = array<i64: 128, 128>}, {pipeline_mode = #tpu.pipeline_mode<synchronous>, transform_indices = @transform_4, window_bounds = array<i64: 128, 128>}, {pipeline_mode = #tpu.pipeline_mode<synchronous>, transform_indices = @transform_5, window_bounds = array<i64: 128, 64>}, {pipeline_mode = #tpu.pipeline_mode<synchronous>, transform_indices = @transform_6, window_bounds = array<i64: 1, 64>}, {transform_indices = @transform_7, window_bounds = array<i64: 2000, 64>}, {transform_indices = @transform_8, window_bounds = array<i64: 2000, 128>}]} {
    %get3A = arith.constant 0 : index
    %get3A_0 = arith.constant 0 : index
    %get3A_1 = vector.load %arg4[%get3A, %get3A_0] : memref<128x128xf32, #tpu.memory_space<vmem>>, vector<128x128xf32>
    %get3A_2 = arith.constant 0 : index
    %get3A_3 = arith.constant 0 : index
    %get3A_4 = vector.load %arg5[%get3A_2, %get3A_3] : memref<128x128xf32, #tpu.memory_space<vmem>>, vector<128x128xf32>
    %dot_general3A = arith.constant dense<0.000000e+00> : vector<128x128xf32>
    %dot_general3A_5 = tpu.matmul %get3A_1, %get3A_4, %dot_general3A {dimension_numbers = #tpu.dot_dimension_numbers<[1], [0], [0], [1], [0, 0, 1, 1], [], []>, transpose_lhs_hint = false} : vector<128x128xf32>, vector<128x128xf32>, vector<128x128xf32> -> vector<128x128xf32>
    %get3A_6 = arith.constant 0 : index
    %get3A_7 = arith.constant 0 : index
    %get3A_8 = arith.constant 0 : index
    %get3A_9 = vector.load %arg1[%get3A_6, %get3A_7, %get3A_8] : memref<2x2000x128xf32, #tpu.memory_space<vmem>>, vector<1x2000x128xf32>
    %get3A_10 = vector.shape_cast %get3A_9 : vector<1x2000x128xf32> to vector<2000x128xf32>
    %get3A_11 = arith.constant 1 : index
    %get3A_12 = arith.constant 0 : index
    %get3A_13 = arith.constant 0 : index
    %get3A_14 = vector.load %arg1[%get3A_11, %get3A_12, %get3A_13] : memref<2x2000x128xf32, #tpu.memory_space<vmem>>, vector<1x2000x128xf32>
    %get3A_15 = vector.shape_cast %get3A_14 : vector<1x2000x128xf32> to vector<2000x128xf32>
    %add3A = arith.addf %get3A_10, %get3A_15 : vector<2000x128xf32>
    %dot_general3A_16 = arith.constant dense<0.000000e+00> : vector<2000x128xf32>
    %dot_general3A_17 = tpu.matmul %add3A, %dot_general3A_5, %dot_general3A_16 {dimension_numbers = #tpu.dot_dimension_numbers<[1], [0], [0], [1], [0, 0, 1, 1], [], []>, transpose_lhs_hint = false} : vector<2000x128xf32>, vector<128x128xf32>, vector<2000x128xf32> -> vector<2000x128xf32>
    %mul3A = arith.constant 0.622459352 : f32
    %mul3A_18 = vector.broadcast %mul3A : f32 to vector<2000x128xf32>
    %mul3A_19 = arith.mulf %dot_general3A_17, %mul3A_18 : vector<2000x128xf32>
    %get3A_20 = arith.constant 0 : index
    %get3A_21 = arith.constant 0 : index
    %get3A_22 = vector.load %arg2[%get3A_20, %get3A_21] : memref<2000x128xf32, #tpu.memory_space<vmem>>, vector<2000x128xf32>
    %get3A_23 = arith.constant 0 : index
    %get3A_24 = arith.constant 0 : index
    %get3A_25 = vector.load %arg3[%get3A_23, %get3A_24] : memref<128x128xf32, #tpu.memory_space<vmem>>, vector<128x128xf32>
    %dot_general3A_26 = arith.constant dense<0.000000e+00> : vector<2000x128xf32>
    %dot_general3A_27 = tpu.matmul %get3A_22, %get3A_25, %dot_general3A_26 {dimension_numbers = #tpu.dot_dimension_numbers<[1], [0], [0], [1], [0, 0, 1, 1], [], []>, transpose_lhs_hint = false} : vector<2000x128xf32>, vector<128x128xf32>, vector<2000x128xf32> -> vector<2000x128xf32>
    %add3A_28 = arith.addf %dot_general3A_27, %mul3A_19 : vector<2000x128xf32>
    %get3A_29 = arith.constant 0 : index
    %get3A_30 = arith.constant 0 : index
    %get3A_31 = vector.load %arg6[%get3A_29, %get3A_30] : memref<128x64xf32, #tpu.memory_space<vmem>>, vector<128x64xf32>
    %dot_general3A_32 = arith.constant dense<0.000000e+00> : vector<2000x64xf32>
    %dot_general3A_33 = tpu.matmul %add3A_28, %get3A_31, %dot_general3A_32 {dimension_numbers = #tpu.dot_dimension_numbers<[1], [0], [0], [1], [0, 0, 1, 1], [], []>, transpose_lhs_hint = false} : vector<2000x128xf32>, vector<128x64xf32>, vector<2000x64xf32> -> vector<2000x64xf32>
    %get3A_34 = arith.constant 0 : index
    %get3A_35 = arith.constant 0 : index
    %get3A_36 = vector.load %arg7[%get3A_34, %get3A_35] : memref<1x64xf32, #tpu.memory_space<vmem>>, vector<1x64xf32>
    %add3A_37 = vector.broadcast %get3A_36 : vector<1x64xf32> to vector<2000x64xf32>
    %add3A_38 = arith.addf %dot_general3A_33, %add3A_37 : vector<2000x64xf32>
    %reduce_max3A = arith.constant dense<0xFF800000> : vector<2000xf32>
    %reduce_max3A_39 = vector.multi_reduction <maximumf>, %add3A_38, %reduce_max3A [1] : vector<2000x64xf32> to vector<2000xf32>
    %broadcast_in_dim3A = vector.shape_cast %reduce_max3A_39 : vector<2000xf32> to vector<2000x1xf32>
    %sub3A = vector.broadcast %broadcast_in_dim3A : vector<2000x1xf32> to vector<2000x64xf32>
    %sub3A_40 = arith.subf %add3A_38, %sub3A : vector<2000x64xf32>
    %exp3A = math.exp %sub3A_40 : vector<2000x64xf32>
    %reduce_sum3A = arith.constant dense<0.000000e+00> : vector<2000xf32>
    %reduce_sum3A_41 = vector.multi_reduction <add>, %exp3A, %reduce_sum3A [1] : vector<2000x64xf32> to vector<2000xf32>
    %broadcast_in_dim3A_42 = vector.shape_cast %reduce_sum3A_41 : vector<2000xf32> to vector<2000x1xf32>
    %log3A = math.log %broadcast_in_dim3A_42 : vector<2000x1xf32>
    %add3A_43 = arith.addf %log3A, %broadcast_in_dim3A : vector<2000x1xf32>
    %sub3A_44 = vector.broadcast %add3A_43 : vector<2000x1xf32> to vector<2000x64xf32>
    %sub3A_45 = arith.subf %add3A_38, %sub3A_44 : vector<2000x64xf32>
    %swap3A = arith.constant 0 : index
    %swap3A_46 = arith.constant 0 : index
    %swap3A_47 = vector.load %arg8[%swap3A, %swap3A_46] : memref<2000x64xf32, #tpu.memory_space<vmem>>, vector<2000x64xf32>
    tpu.vector_store %arg8[%swap3A, %swap3A_46], %sub3A_45 {strides = array<i32>} : memref<2000x64xf32, #tpu.memory_space<vmem>>, vector<2000x64xf32>,
    %swap3A_48 = arith.constant 0 : index
    %swap3A_49 = arith.constant 0 : index
    %swap3A_50 = vector.load %arg9[%swap3A_48, %swap3A_49] : memref<2000x128xf32, #tpu.memory_space<vmem>>, vector<2000x128xf32>
    tpu.vector_store %arg9[%swap3A_48, %swap3A_49], %mul3A_19 {strides = array<i32>} : memref<2000x128xf32, #tpu.memory_space<vmem>>, vector<2000x128xf32>,
    return
  }
  func.func @transform_0(%arg0: i32) -> (i32, i32, i32) {
    %c0_i32 = arith.constant 0 : i32
    %c0_i32_0 = arith.constant 0 : i32
    %c0_i32_1 = arith.constant 0 : i32
    return %c0_i32, %arg0, %c0_i32_0 : i32, i32, i32
  }
  func.func @transform_1(%arg0: i32) -> (i32, i32) {
    %c0_i32 = arith.constant 0 : i32
    %c0_i32_0 = arith.constant 0 : i32
    return %arg0, %c0_i32 : i32, i32
  }
  func.func @transform_2(%arg0: i32) -> (i32, i32) {
    %c0_i32 = arith.constant 0 : i32
    %c0_i32_0 = arith.constant 0 : i32
    %c0_i32_1 = arith.constant 0 : i32
    return %c0_i32, %c0_i32_0 : i32, i32
  }
  func.func @transform_3(%arg0: i32) -> (i32, i32) {
    %c0_i32 = arith.constant 0 : i32
    %c0_i32_0 = arith.constant 0 : i32
    %c0_i32_1 = arith.constant 0 : i32
    return %c0_i32, %c0_i32_0 : i32, i32
  }
  func.func @transform_4(%arg0: i32) -> (i32, i32) {
    %c0_i32 = arith.constant 0 : i32
    %c0_i32_0 = arith.constant 0 : i32
    %c0_i32_1 = arith.constant 0 : i32
    return %c0_i32, %c0_i32_0 : i32, i32
  }
  func.func @transform_5(%arg0: i32) -> (i32, i32) {
    %c0_i32 = arith.constant 0 : i32
    %c0_i32_0 = arith.constant 0 : i32
    %c0_i32_1 = arith.constant 0 : i32
    return %c0_i32, %c0_i32_0 : i32, i32
  }
  func.func @transform_6(%arg0: i32) -> (i32, i32) {
    %c0_i32 = arith.constant 0 : i32
    %c0_i32_0 = arith.constant 0 : i32
    %c0_i32_1 = arith.constant 0 : i32
    return %c0_i32, %c0_i32_0 : i32, i32
  }
  func.func @transform_7(%arg0: i32) -> (i32, i32) {
    %c0_i32 = arith.constant 0 : i32
    %c0_i32_0 = arith.constant 0 : i32
    return %arg0, %c0_i32 : i32, i32
  }
  func.func @transform_8(%arg0: i32) -> (i32, i32) {
    %c0_i32 = arith.constant 0 : i32
    %c0_i32_0 = arith.constant 0 : i32
    return %arg0, %c0_i32 : i32, i32
  }
}

</mosaic_0001>

<sc_bundles>
// kernel: kernel.4.cloned.1.call-start
scs
__scs_entry_jumppad:
0x0: {  	(pc) =	sbr.rel $0x88, $3  }
0x1: {  	(tag) =	ssettag $0x0;
	lr =	simm.s32 $0x1  }
0x2: {  	[smem:$0x3F99] =	sst lr;
	_ =	strace $0xD0000000  }
0x3: {  	_ = 	snop  }
0x4: {  	_ = 	snop  }
0x5: {  	_ = 	snop  }
0x6: {  	_ = 	snop  }
0x7: {  	_ = 	snop  }
__scs_overlays_trampoline_lowered:
0x8: {  	[smem:$0x3FA8] =	sst s0  }
0x9: {  	[smem:$0x3FA9] =	sst s1  }
0xa: {  	[smem:$0x3FAA] =	sst s2  }
0xb: {  	[smem:$0x3FAB] =	sst s3  }
0xc: {  	[smem:$0x3FAC] =	sst s4  }
0xd: {  	[smem:$0x3FAD] =	sst s5  }
0xe: {  	[smem:$0x3FAE] =	sst s6  }
0xf: {  	[smem:$0x3FAF] =	sst s7  }
0x10: {  	[smem:$0x3FB0] =	sst s8  }
0x11: {  	[smem:$0x3FB1] =	sst s9;
	s0 =	simm.s32 @!p0 $0x0  }
0x12: {  	s1 =	sld [smem:$0x3F97];
	s0 =	simm.s32 @p0 $0x1  }
0x13: {  	[smem:$0x3FB2] =	sst s0;
	s0 =	simm.s32 @!p1 $0x0  }
0x14: {  	s2 =	sld [smem:$0x3F96];
	s0 =	simm.s32 @p1 $0x1  }
0x15: {  	[smem:$0x3FB3] =	sst s0;
	s0 =	simm.s32 @!p2 $0x0  }
0x16: {  	s3 =	sld [smem:$0x3FDB];
	s0 =	simm.s32 @p2 $0x1  }
0x17: {  	s4 =	simm.s32 $0x1BF5;
	[smem:$0x3FB5] =	sst s0  }
0x18: {  	s0 =	sld [smem:$0x3F98];
	_ =	swait.ge [sflag:s4], $0x0  }
0x19: {  	s7 =	sld [smem:$0x3F99]  }
0x1a: {  	s8 =	sadd.s32 $0xFFFFE003, lr  }
0x1b: {  	s9 =	sadd.s32 $0xFFFFFEF7, lr;
	s5 =	simm.s32 $0xFFFFFFFF;
	p2 =	slt.u32 s8, $0xFFFFF086  }
0x1c: {  	p1 =	slt.u32 s9, $0xF7A;
	s5 =	simm.s32 @!p2 $0x0  }
0x1d: {  	s5 =	simm.s32 @p1 $0x1;
	p0 =	seq.s32 s7, s2  }
0x1e: {  	s7 =	smul.u32 @!p0 $0xF7A, s2;
	p2 =	seq.s32 @!p0 s5, $0x0  }
0x1f: {  	s9 =	smul.u32 $0xF7A, s1;
	s8 =	simm.s32 @!p0 $0x1BF5;
	p2 =	por !p2, p0  }
0x20: {  	[sflag:s8] =	ssyncset.s32 @!p0 $0xFFFFF086;
	s6 =	sadd.s32 @!p0 s3, s7;
	s7 =	simm.s32 @!p0 $0x108  }
0x21: {  	s3 =	sadd.s32 s3, s9;
	s6 =	sadd.s32 @!p0 $0x88, s6;
	s7 =	simm.s32 @p2 $0x1082  }
0x22: {  	[simem:s7], [sflag:s8] =	dma.local @!p0 [hbm:s6], $0xF7A  }
0x23: {  	s9 =	sor.u32 $0xD0000000, s2;
	s6 =	simm.s32 $0x108;
	_ =	swait.ge @!p0 [sflag:s8], $0x0  }
0x24: {  	s3 =	sadd.s32 $0x88, s3;
	s6 =	simm.s32 @!p1 $0x1082;
	[sflag:s4] =	ssyncset.s32 $0xFFFFF086  }
0x25: {  	[simem:s6], [sflag:s4] =	dma.local [hbm:s3], $0xF7A  }
0x26: {  	[smem:$0x3F99] =	sst s1;
	(tag) =	ssettag s2;
	_ =	strace s9  }
0x27: {  	s1 =	sld [smem:$0x3FA9]  }
0x28: {  	s2 =	sld [smem:$0x3FAA]  }
0x29: {  	s4 =	sld [smem:$0x3FAC]  }
0x2a: {  	p0 =	seq.s32 s5, $0x0;
	s5 =	sld [smem:$0x3FAD]  }
0x2b: {  	s6 =	sld [smem:$0x3FAE]  }
0x2c: {  	s7 =	sld [smem:$0x3FAF]  }
0x2d: {  	s3 =	simm.s32 $0x108;
	s8 =	sld [smem:$0x3FB0]  }
0x2e: {  	s3 =	simm.s32 @!p0 $0x1082;
	s9 =	sld [smem:$0x3FB1]  }
0x2f: {  	lr =	sadd.s32 s0, s3;
	s0 =	sld [smem:$0x3FA8]  }
0x30: {  	s3 =	sld [smem:$0x3FAB]  }
0x31: {  	[smem:$0x3FB4] =	sst s10  }
0x32: {  	s10 =	sld [smem:$0x3FB2];
	_ =	sdelay $0x3  }
0x33: {  	p0 =	seq.s32 s10, $0x1;
	s10 =	sld [smem:$0x3FB4];
	_ =	sdelay $0x3  }
0x34: {  	[smem:$0x3FB4] =	sst s10  }
0x35: {  	s10 =	sld [smem:$0x3FB3];
	_ =	sdelay $0x3  }
0x36: {  	p1 =	seq.s32 s10, $0x1;
	s10 =	sld [smem:$0x3FB4];
	_ =	sdelay $0x3  }
0x37: {  	[smem:$0x3FB4] =	sst s10  }
0x38: {  	s10 =	sld [smem:$0x3FB5]  }
0x39: {  	_ = 	snop;
	(pc) =	sbr.ind lr, $3  }
0x3a: {  	_ = 	snop  }
0x3b: {  	_ = 	snop  }
0x3c: {  	p2 =	seq.s32 s10, $0x1;
	s10 =	sld [smem:$0x3FB4]  }
0x3d: {  	_ =	shalt  }
0x3e: {  	_ =	shalt  }
0x3f: {  	_ =	shalt  }
0x40: {  	_ =	shalt  }
0x41: {  	_ =	shalt  }
0x42: {  	_ =	shalt  }
0x43: {  	_ =	shalt  }
0x44: {  	_ =	shalt  }
0x45: {  	_ =	shalt  }
0x46: {  	_ =	shalt  }
0x47: {  	_ =	shalt  }
0x48: {  	_ =	shalt  }
0x49: {  	_ =	shalt  }
0x4a: {  	_ =	shalt  }
0x4b: {  	_ =	shalt  }
0x4c: {  	_ =	shalt  }
0x4d: {  	_ =	shalt  }
0x4e: {  	_ =	shalt  }
0x4f: {  	_ =	shalt  }
0x50: {  	_ =	shalt  }
0x51: {  	_ =	shalt  }
0x52: {  	_ =	shalt  }
0x53: {  	_ =	shalt  }
0x54: {  	_ =	shalt  }
0x55: {  	_ =	shalt  }
0x56: {  	_ =	shalt  }
0x57: {  	_ =	shalt  }
0x58: {  	_ =	shalt  }
0x59: {  	_ =	shalt  }
0x5a: {  	_ =	shalt  }
0x5b: {  	_ =	shalt  }
0x5c: {  	_ =	shalt  }
0x5d: {  	_ =	shalt  }
0x5e: {  	_ =	shalt  }
0x5f: {  	_ =	shalt  }
0x60: {  	_ =	shalt  }
0x61: {  	_ =	shalt  }
0x62: {  	_ =	shalt  }
0x63: {  	_ =	shalt  }
0x64: {  	_ =	shalt  }
0x65: {  	_ =	shalt  }
0x66: {  	_ =	shalt  }
0x67: {  	_ =	shalt  }
0x68: {  	_ =	shalt  }
0x69: {  	_ =	shalt  }
0x6a: {  	_ =	shalt  }
0x6b: {  	_ =	shalt  }
0x6c: {  	_ =	shalt  }
0x6d: {  	_ =	shalt  }
0x6e: {  	_ =	shalt  }
0x6f: {  	_ =	shalt  }
0x70: {  	_ =	shalt  }
0x71: {  	_ =	shalt  }
0x72: {  	_ =	shalt  }
0x73: {  	_ =	shalt  }
0x74: {  	_ =	shalt  }
0x75: {  	_ =	shalt  }
0x76: {  	_ =	shalt  }
0x77: {  	_ =	shalt  }
0x78: {  	_ =	shalt  }
0x79: {  	_ =	shalt  }
0x7a: {  	_ =	shalt  }
0x7b: {  	_ =	shalt  }
0x7c: {  	_ =	shalt  }
0x7d: {  	_ =	shalt  }
0x7e: {  	_ =	shalt  }
0x7f: {  	_ =	shalt  }
0x80: {  	_ =	shalt  }
0x81: {  	_ =	shalt  }
0x82: {  	_ =	shalt  }
0x83: {  	_ =	shalt  }
0x84: {  	_ =	shalt  }
0x85: {  	_ =	shalt  }
0x86: {  	_ =	shalt  }
0x87: {  	_ =	shalt  }
.Lfunc_end0:
.L_simem_size_0:
called_computation_lowered:
.L_overlay_start_0:
0x88: {  	s2 =	sld [smem:$0x3FD9]  }
0x89: {  	s3 =	sld [smem:$0x3FFE];
	_ =	sdelay $0x1  }
0x8a: {  	s1 =	srdreg.scid  }
0x8b: {  	s0 =	sand.u32 $0x1, s1  }
0x8c: {  	s14 =	sshll.u32 s0, $0xA;
	s2 =	sadd.s32 s3, s2  }
0x8d: {  	s2 =	sadd.s32 s2, s14  }
0x8e: {  	[smem:$0x3FC0] =	sst s2  }
0x8f: {  	_ = 	snop  }
0x90: {  	s2 =	sld [smem:$0x3FD0];
	_ =	sdelay $0x2  }
0x91: {  	s4 =	simm.s32 $0xA;
	s5 =	simm.s32 $0x10;
	s15 =	sld [smem:$0x3FC8]  }
0x92: {  	[smem:s5], [sflag:s4] =	dma.local [hbm:s2], $0x1  }
0x93: {  	_ =	swait.eq [sflag:s4], $0x1  }
0x94: {  	[sflag:s4] =	ssyncset.done $0x0  }
0x95: {  	s16 =	sld [smem:$0x10];
	[sflag:s4] =	ssyncadd.s32 $0xFFFFFFFF  }
0x96: {  	s17 =	sld [smem:$0x11];
	(tm) =	ssettm $0x1  }
0x97: {  	s18 =	sld [smem:$0x3FFB];
	_ =	sdelay $0x3  }
0x98: {  	_ =	strace s18  }
0x99: {  	s5 =	sld [smem:$0x3FFC];
	_ =	sdelay $0x3  }
0x9a: {  	_ =	strace s5  }
0x9b: {  	s5 =	sld [smem:$0x3FFD];
	_ =	sdelay $0x3  }
0x9c: {  	_ =	strace s5  }
0x9d: {  	_ =	strace $0x8FFFFFFF  }
0x9e: {  	s19 =	sld [smem:$0x3FDB];
	_ =	sdelay $0x1  }
0x9f: {  	s6 =	simm.s32 $_scs_section_size  }
0xa0: {  	s7 =	simm.s32 $_size__tile_overlayer_lowered;
	s8 =	simm.s32 $_tile_overlayer_lowered  }
0xa1: {  	s22 =	simm.s32 $0x1BFF;
	s21 =	sshll.u32 s8, $0x1;
	s5 =	sadd.s32 s6, s19  }
0xa2: {  	s9 =	simm.s32 $0x0;
	s20 =	sshll.u32 s7, $0x1;
	s7 =	sadd.s32 s21, s5  }
0xa3: {  	[timem:s9], [sflag:s22] =	dma.local [hbm:s7], s20  }
0xa4: {  	_ =	swait.ge [sflag:s22], s20  }
0xa5: {  	s6 =	ssub.s32 $0x0, s20;
	[sflag:s22] =	ssyncset.done $0x0  }
0xa6: {  	[sflag:s22] =	ssyncadd.s32 s6;
	_ =	sdelay $0x1  }
0xa7: {  	s23 =	simm.s32 $0x1B8B  }
0xa8: {  	_ =	swait.ge [sflag:s23], $0x1  }
0xa9: {  	[sflag:s23] =	ssyncset.done $0x0  }
0xaa: {  	s25 =	simm.s32 $0x1B8E;
	s24 =	sld [smem:$0x3FFE];
	[sflag:s23] =	ssyncadd.s32 $0xFFFFFFFF  }
0xab: {  	s26 =	simm.s32 $execute0_lowered;
	[smem:$0x3FD2] =	sst s25  }
0xac: {  	s7 =	sshll.u32 s26, $0x1;
	_ =	strace $0x80000046;
	[dreg:$0x1] =	wrdreg $0xFFFFFFFF  }
0xad: {  	s28 =	simm.s32 $_size_execute0_lowered;
	s5 =	sadd.s32 s5, s7;
	[dreg:$0x0] =	wrdreg $0x0  }
0xae: {  	s7 =	sshll.u32 s28, $0x1;
	[dreg:$0x2] =	wrdreg s5  }
0xaf: {  	[dreg:$0x3] =	wrdreg s7  }
0xb0: {  	[dreg:$0x4] =	wrdreg $0xC0  }
0xb1: {  	_ =	task [dreg:s9], $0x5FFFF  }
0xb2: {  	[dreg:$0x1] =	wrdreg $0xFFFFFFFF  }
0xb3: {  	[dreg:$0x0] =	wrdreg $0x60  }
0xb4: {  	[dreg:$0x2] =	wrdreg s15  }
0xb5: {  	[dreg:$0x3] =	wrdreg s16  }
0xb6: {  	[dreg:$0x4] =	wrdreg s17  }
0xb7: {  	[dreg:$0x5] =	wrdreg s24  }
0xb8: {  	[dreg:$0x6] =	wrdreg $0xA2000  }
0xb9: {  	[dreg:$0x7] =	wrdreg $0x9  }
0xba: {  	_ =	task.clear_ibuf [dreg:s9], $0x8FFFF;
	_ =	strace $0x90000046  }
0xbb: {  	s29 =	simm.s32 $0x9;
	_ =	strace $0x80000048  }
0xbc: {  	_ =	swait.ge [sflag:s29], $0x1  }
0xbd: {  	[sflag:s29] =	ssyncadd.s32 $0xFFFFFFFF  }
0xbe: {  	_ =	strace $0x90000048  }
0xbf: {  	_ =	sfence  }
0xc0: {  	s30 =	sld [smem:$0x0];
	_ =	sdelay $0x2  }
0xc1: {  	s31 =	sshll.u32 s1, $0xD;
	s1 =	sshrl.u32 s1, $0x2  }
0xc2: {  	s3 =	sand.u32 $0x4000, s31;
	s1 =	sadd.s32 s1, s30  }
0xc3: {  	s0 =	sor.u32 s3, s0;
	s1 =	sshll.u32 s1, $0x11  }
0xc4: {  	s0 =	sor.u32 s1, s0  }
0xc5: {  	s0 =	sadd.s32 $0x8F2B, s0  }
0xc6: {  	[sflag:s0] =	ssyncadd.remote.s32 $0x1  }
0xc7: {  	_ =	sfence.sel $0xFFFF  }
0xc8: {  	[dreg:$0x0] =	wrdreg $0xFFFFFFFF;
	(pc) =	sbr.abs _section_cstart, $3  }
0xc9: {  	[dreg:$0x1] =	wrdreg $0xFFFFFFFF  }
0xca: {  	_ =	task.clear_ibuf [dreg:s9], $0x2FFFF;
	_ =	strace $0x9FFFFFFF  }
0xcb: {  	(tm) =	ssettm $0x7FFFFFFF  }
tec
execute0_lowered:
.L_overlay_start_1:
0x0: {  	(tag) =	ssettag $0x1  }
0x1: {  	s12 =	stileid.u32  }
0x2: {  	s0 =	rddreg [dreg:$0x0];
	s17 =	smul.u32 $0x4E000, s12  }
0x3: {  	s2 =	srdreg.scid;
	s22 =	smul.u32 $0x13800, s12  }
0x4: {  	s1 =	rddreg [dreg:$0x1];
	s2 =	sand.u32 $0x1, s2;
	s31 =	smul.u32 $0x7D, s12  }
0x5: {  	s5 =	rddreg [dreg:$0x3];
	s4 =	simm.s32 $0x0;
	s20 =	smul.u32 $0x138800, s2  }
0x6: {  	[smem:$0x7FF] =	sst s4;
	s6 =	sshll.u32 s2, $0x4;
	s29 =	smul.u32 $0x271000, s2  }
0x7: {  	s8 =	ssub.s32 $0x2, s2;
	s2 =	smul.u32 $0x7D0, s2;
	s6 =	sor.u32 s12, s6  }
0x8: {  	s5 =	sadd.s32 $0x1400, s5;
	p0 =	seq.s32 s12, $0xF;
	s7 =	smul.u32 $0x27100, s6  }
0x9: {  	s3 =	rddreg [dreg:$0x4];
	_ =	strace $0x80000047;
	s9 =	smul.u32 $0x138800, s6  }
0xa: {  	s11 =	smul.u32 $0x7D0, s6;
	s2 =	sadd.s32 s31, s2;
	s31 =	sadd.s32 $0x124800, s3  }
0xb: {  	s10 =	sshrl.u32 s8, $0x1;
	s6 =	smul.u32 $0x3E80, s6;
	[smem:$0x7FD] =	sst s31  }
0xc: {  	s9 =	sshrl.u32 s9, $0x3;
	s7 =	sadd.s32 s0, s7;
	s18 =	sadd.s32 s1, s11  }
0xd: {  	s6 =	sshrl.u32 s6, $0x3;
	[dreg:$0x7] =	wrdreg s7;
	s7 =	sadd.s32 s0, s9  }
0xe: {  	[dreg:$0x8] =	wrdreg s18;
	s6 =	sadd.s32 s1, s6;
	s19 =	sadd.s32 $0x500, s7  }
0xf: {  	s9 =	sshrl.u32 s17, $0x2;
	s21 =	sadd.s32 $0x10, s6;
	[dreg:$0x9] =	wrdreg s19  }
0x10: {  	s8 =	ssub.s32 s8, s10;
	s9 =	sadd.s32 s9, s3;
	[dreg:$0xa] =	wrdreg s21  }
0x11: {  	s30 =	sshrl.u32 s20, $0x3;
	s23 =	sadd.s32 $0xA00, s7;
	[dreg:$0xb] =	wrdreg s9  }
0x12: {  	s10 =	simm.s32 $0x2;
	s24 =	sadd.s32 $0x20, s6;
	[dreg:$0xc] =	wrdreg s23  }
0x13: {  	s2 =	sshll.u32 s2, $0x4;
	s25 =	sadd.s32 $0xF00, s7;
	[dreg:$0xd] =	wrdreg s24  }
0x14: {  	s11 =	simm.s32 $0x7800;
	s26 =	sadd.s32 $0x30, s6;
	[dreg:$0xe] =	wrdreg s25  }
0x15: {  	s0 =	sadd.s32 s29, s0;
	s13 =	sadd.s32 $0x1400, s7;
	[dreg:$0xf] =	wrdreg s26  }
0x16: {  	s18 =	sadd.s32 s1, s2;
	s14 =	sadd.s32 $0x40, s6;
	[dreg:$0x10] =	wrdreg s13  }
0x17: {  	s2 =	simm.s32 $0xA000;
	s15 =	sadd.s32 $0x1900, s7;
	[dreg:$0x12] =	wrdreg s14  }
0x18: {  	s16 =	sadd.s32 $0x50, s6;
	s17 =	sadd.s32 $0x26200, s7;
	[dreg:$0x13] =	wrdreg s15  }
0x19: {  	s29 =	sadd.s32 $0x60, s18;
	s28 =	sadd.s32 $0x90, s18;
	[dreg:$0x14] =	wrdreg s16  }
0x1a: {  	s9 =	sadd.s32 s22, s20;
	s13 =	smul.u32 $0x27100, s12;
	[dreg:$0x15] =	wrdreg s17  }
0x1b: {  	s19 =	sadd.s32 $0x26700, s7;
	s20 =	sadd.s32 $0x26C00, s7;
	[dreg:$0x1e] =	wrdreg s29  }
0x1c: {  	s21 =	sadd.s32 $0x7A0, s6;
	s22 =	sadd.s32 $0x7B0, s6;
	[dreg:$0x16] =	wrdreg s19  }
0x1d: {  	s23 =	sadd.s32 $0x7C0, s6;
	s25 =	smax.u32 s8, $0x1;
	[dreg:$0x17] =	wrdreg s20  }
0x1e: {  	s26 =	sadd.s32 $0x70, s18;
	s6 =	simm.s32 $0x1;
	[dreg:$0x18] =	wrdreg s21  }
0x1f: {  	s7 =	simm.s32 $0x50;
	s8 =	simm.s32 $0x5000;
	[dreg:$0x19] =	wrdreg s22  }
0x20: {  	s12 =	simm.s32 $0xA180;
	s14 =	simm.s32 $0x5;
	[dreg:$0x1a] =	wrdreg s23  }
0x21: {  	s15 =	simm.s32 $0x4;
	s16 =	simm.s32 $0x6;
	[dreg:$0x1c] =	wrdreg s25  }
0x22: {  	s17 =	simm.s32 $0x7;
	s9 =	sshrl.u32 s9, $0x3;
	[dreg:$0x1d] =	wrdreg s26  }
0x23: {  	s19 =	simm.s32 $0x0;
	s9 =	sadd.s32 s5, s9;
	s5 =	sadd.s32 s5, s30  }
0x24: {  	s0 =	sadd.s32 s13, s0;
	s30 =	sadd.s32 $0x80, s18;
	[dreg:$0x11] =	wrdreg s9  }
0x25: {  	s13 =	simm.s32 $0x3;
	s18 =	simm.s32 $0x8;
	[dreg:$0x6] =	wrdreg s0  }
0x26: {  	s24 =	sadd.s32 $0x24900, s5;
	[dreg:$0x1f] =	wrdreg s30;
	s0 =	simm.s32 $0x2800  }
0x27: {  	s5 =	simm.s32 $0xA080;
	s9 =	simm.s32 $0xA100;
	[dreg:$0x1b] =	wrdreg s24  }
.LBB2_1:
0x28: {  	s1 =	rddreg [dreg:$0x7]  }
0x29: {  	s20 =	rddreg [dreg:$0x8]  }
0x2a: {  	s21 =	rddreg [dreg:$0x9]  }
0x2b: {  	[tilespmem:s4], [sflag:$0x1] =	stream.linear.gather [hbm4b:s1+s4], $0x2800, $0x38;
	[tilespmem:$0x1DA80] =	vst v63  }
0x2c: {  	s1 =	sld [smem:$0x7FD]  }
0x2d: {  	[tilespmem:s2], [sflag:$0x1] =	stream.linear.gather [hbm4b:s20+s4], $0x80, $0x38;
	[tilespmem:$0x1DA80] =	vst v63  }
0x2e: {  	s22 =	rddreg [dreg:$0xa]  }
0x2f: {  	[tilespmem:s0], [sflag:$0x2] =	stream.linear.gather [hbm4b:s21+s4], $0x2800, $0x38;
	[tilespmem:$0x1DA80] =	vst v63  }
0x30: {  	s23 =	rddreg [dreg:$0x2];
	s20 =	sshrl.u32 @p0 s1, $0x3;
	s1 =	simm.s32 @p0 $0x1FC9  }
0x31: {  	[tilespmem:s5], [sflag:$0x2] =	stream.linear.gather [hbm4b:s22+s4], $0x80, $0x38;
	[tilespmem:$0x1DA80] =	vst v63  }
0x32: {  	[spmem:s20], [sflag:s1] =	dma.local @p0 [hbm:s23], $0x2800  }
0x33: {  	s1 =	simm.s32 @p0 $0x9  }
0x34: {  	_ =	swait.ge @p0 [sflag:s1], $0x2800  }
0x35: {  	s21 =	stileid.u32;
	[sflag:s1] =	ssyncset.done @p0 $0x0  }
0x36: {  	s21 =	sshll.u32 @!p0 s21, $0x6;
	[sflag:s1] =	ssyncadd.s32 @p0 $0xFFFFD800;
	s1 =	rddreg [dreg:$0xb]  }
0x37: {  	s21 =	sor.u32 @!p0 $0x1C09, s21;
	s22 =	sshrl.u32 @!p0 s1, $0x3;
	s1 =	simm.s32 @!p0 $0x9  }
0x38: {  	[spmem:s22], [sflag:s21] =	dma.local @!p0 [hbm:s23], $0x2700  }
0x39: {  	_ =	swait.ge @!p0 [sflag:s1], $0x2700  }
0x3a: {  	[sflag:s1] =	ssyncset.done @!p0 $0x0  }
0x3b: {  	[sflag:s1] =	ssyncadd.s32 @!p0 $0xFFFFD900  }
0x3c: {  	[bflag:$0x0] =	sbarrier.arrive $0xFFFF  }
0x3d: {  	_ =	swait.ge [sflag:s6], $0x2800  }
0x3e: {  	[sflag:s6] =	ssyncset.done $0x0  }
0x3f: {  	[sflag:s6] =	ssyncadd.s32 $0xFFFFD800  }
0x40: {  	_ =	swait.ge [sflag:s6], $0x80  }
0x41: {  	[sflag:s6] =	ssyncset.done $0x0  }
0x42: {  	[sflag:s6] =	ssyncadd.s32 $0xFFFFFF80  }
0x43: {  	[spmem:s3] =	stream.indirect.scatter.add.f32 [tilespmem:s4], [sflag:$0x5], $0x80, s2, s7, $0xb8;
	[tilespmem:$0x1DA80] =	vst v63  }
0x44: {  	s23 =	rddreg [dreg:$0xc]  }
0x45: {  	[tilespmem:s8], [sflag:$0x3] =	stream.linear.gather [hbm4b:s23+s4], $0x2800, $0x38;
	[tilespmem:$0x1DA80] =	vst v63  }
0x46: {  	s24 =	rddreg [dreg:$0xd]  }
0x47: {  	[tilespmem:s9], [sflag:$0x3] =	stream.linear.gather [hbm4b:s24+s4], $0x80, $0x38;
	[tilespmem:$0x1DA80] =	vst v63  }
0x48: {  	_ =	swait.ge [sflag:s10], $0x2800  }
0x49: {  	[sflag:s10] =	ssyncset.done $0x0  }
0x4a: {  	[sflag:s10] =	ssyncadd.s32 $0xFFFFD800  }
0x4b: {  	_ =	swait.ge [sflag:s10], $0x80  }
0x4c: {  	[sflag:s10] =	ssyncset.done $0x0  }
0x4d: {  	[sflag:s10] =	ssyncadd.s32 $0xFFFFFF80  }
0x4e: {  	[spmem:s3] =	stream.indirect.scatter.add.f32 [tilespmem:s0], [sflag:$0x6], $0x80, s5, s7, $0xb8;
	[tilespmem:$0x1DA80] =	vst v63  }
0x4f: {  	s25 =	rddreg [dreg:$0xe]  }
0x50: {  	[tilespmem:s11], [sflag:$0x4] =	stream.linear.gather [hbm4b:s25+s4], $0x2800, $0x38;
	[tilespmem:$0x1DA80] =	vst v63  }
0x51: {  	s26 =	rddreg [dreg:$0xf]  }
0x52: {  	[tilespmem:s12], [sflag:$0x4] =	stream.linear.gather [hbm4b:s26+s4], $0x80, $0x38;
	[tilespmem:$0x1DA80] =	vst v63  }
0x53: {  	_ =	swait.ge [sflag:s13], $0x2800  }
0x54: {  	[sflag:s13] =	ssyncset.done $0x0  }
0x55: {  	[sflag:s13] =	ssyncadd.s32 $0xFFFFD800  }
0x56: {  	_ =	swait.ge [sflag:s13], $0x80  }
0x57: {  	[sflag:s13] =	ssyncset.done $0x0  }
0x58: {  	[sflag:s13] =	ssyncadd.s32 $0xFFFFFF80  }
0x59: {  	[spmem:s3] =	stream.indirect.scatter.add.f32 [tilespmem:s8], [sflag:$0x7], $0x80, s9, s7, $0xb8;
	[tilespmem:$0x1DA80] =	vst v63  }
0x5a: {  	_ =	swait.ge [sflag:s14], $0x2800  }
0x5b: {  	[sflag:s14] =	ssyncset.done $0x0  }
0x5c: {  	s29 =	rddreg [dreg:$0x10];
	[sflag:s14] =	ssyncadd.s32 $0xFFFFD800  }
0x5d: {  	[tilespmem:s4], [sflag:$0x1] =	stream.linear.gather [hbm4b:s29+s4], $0x2800, $0x38;
	[tilespmem:$0x1DA80] =	vst v63  }
0x5e: {  	s30 =	rddreg [dreg:$0x12]  }
0x5f: {  	[tilespmem:s2], [sflag:$0x1] =	stream.linear.gather [hbm4b:s30+s4], $0x80, $0x38;
	[tilespmem:$0x1DA80] =	vst v63  }
0x60: {  	_ =	swait.ge [sflag:s15], $0x2800  }
0x61: {  	[sflag:s15] =	ssyncset.done $0x0  }
0x62: {  	[sflag:s15] =	ssyncadd.s32 $0xFFFFD800  }
0x63: {  	_ =	swait.ge [sflag:s15], $0x80  }
0x64: {  	[sflag:s15] =	ssyncset.done $0x0  }
0x65: {  	[sflag:s15] =	ssyncadd.s32 $0xFFFFFF80  }
0x66: {  	[spmem:s3] =	stream.indirect.scatter.add.f32 [tilespmem:s11], [sflag:$0x8], $0x80, s12, s7, $0xb8;
	[tilespmem:$0x1DA80] =	vst v63  }
0x67: {  	_ =	swait.ge [sflag:s16], $0x2800  }
0x68: {  	[sflag:s16] =	ssyncset.done $0x0  }
0x69: {  	s23 =	rddreg [dreg:$0x13];
	[sflag:s16] =	ssyncadd.s32 $0xFFFFD800  }
0x6a: {  	[tilespmem:s0], [sflag:$0x2] =	stream.linear.gather [hbm4b:s23+s4], $0x2800, $0x38;
	[tilespmem:$0x1DA80] =	vst v63  }
0x6b: {  	s24 =	rddreg [dreg:$0x14]  }
0x6c: {  	[tilespmem:s5], [sflag:$0x2] =	stream.linear.gather [hbm4b:s24+s4], $0x80, $0x38;
	[tilespmem:$0x1DA80] =	vst v63  }
0x6d: {  	_ =	swait.ge [sflag:s6], $0x2800  }
0x6e: {  	[sflag:s6] =	ssyncset.done $0x0  }
0x6f: {  	[sflag:s6] =	ssyncadd.s32 $0xFFFFD800  }
0x70: {  	_ =	swait.ge [sflag:s6], $0x80  }
0x71: {  	[sflag:s6] =	ssyncset.done $0x0  }
0x72: {  	[sflag:s6] =	ssyncadd.s32 $0xFFFFFF80  }
0x73: {  	[spmem:s3] =	stream.indirect.scatter.add.f32 [tilespmem:s4], [sflag:$0x5], $0x80, s2, s7, $0xb8;
	[tilespmem:$0x1DA80] =	vst v63  }
0x74: {  	_ =	swait.ge [sflag:s17], $0x2800  }
0x75: {  	s25 =	rddreg [dreg:$0x6]  }
0x76: {  	[sflag:s17] =	ssyncset.done $0x0;
	s1 =	sadd.s32 $0x0, s25  }
0x77: {  	[sflag:s17] =	ssyncadd.s32 $0xFFFFD800;
	s26 =	sadd.s32 $0x1E00, s1  }
0x78: {  	[tilespmem:s8], [sflag:$0x3] =	stream.linear.gather [hbm4b:s26+s4], $0x2800, $0x38;
	[tilespmem:$0x1DA80] =	vst v63  }
0x79: {  	s26 =	rddreg [dreg:$0x1e]  }
0x7a: {  	[tilespmem:s9], [sflag:$0x3] =	stream.linear.gather [hbm4b:s26+s4], $0x80, $0x38;
	[tilespmem:$0x1DA80] =	vst v63  }
0x7b: {  	_ =	swait.ge [sflag:s10], $0x2800  }
0x7c: {  	[sflag:s10] =	ssyncset.done $0x0  }
0x7d: {  	[sflag:s10] =	ssyncadd.s32 $0xFFFFD800  }
0x7e: {  	_ =	swait.ge [sflag:s10], $0x80  }
0x7f: {  	[sflag:s10] =	ssyncset.done $0x0  }
0x80: {  	[sflag:s10] =	ssyncadd.s32 $0xFFFFFF80  }
0x81: {  	[spmem:s3] =	stream.indirect.scatter.add.f32 [tilespmem:s0], [sflag:$0x6], $0x80, s5, s7, $0xb8;
	[tilespmem:$0x1DA80] =	vst v63  }
0x82: {  	_ =	swait.ge [sflag:s18], $0x2800  }
0x83: {  	[sflag:s18] =	ssyncset.done $0x0  }
0x84: {  	s29 =	sadd.s32 $0x2300, s1;
	[sflag:s18] =	ssyncadd.s32 $0xFFFFD800  }
0x85: {  	[tilespmem:s11], [sflag:$0x4] =	stream.linear.gather [hbm4b:s29+s4], $0x2800, $0x38;
	[tilespmem:$0x1DA80] =	vst v63  }
0x86: {  	s25 =	rddreg [dreg:$0x1d]  }
0x87: {  	[tilespmem:s12], [sflag:$0x4] =	stream.linear.gather [hbm4b:s25+s4], $0x80, $0x38;
	[tilespmem:$0x1DA80] =	vst v63  }
0x88: {  	_ =	swait.ge [sflag:s13], $0x2800  }
0x89: {  	[sflag:s13] =	ssyncset.done $0x0  }
0x8a: {  	[sflag:s13] =	ssyncadd.s32 $0xFFFFD800  }
0x8b: {  	_ =	swait.ge [sflag:s13], $0x80  }
0x8c: {  	[sflag:s13] =	ssyncset.done $0x0  }
0x8d: {  	[sflag:s13] =	ssyncadd.s32 $0xFFFFFF80  }
0x8e: {  	[spmem:s3] =	stream.indirect.scatter.add.f32 [tilespmem:s8], [sflag:$0x7], $0x80, s9, s7, $0xb8;
	[tilespmem:$0x1DA80] =	vst v63  }
0x8f: {  	_ =	swait.ge [sflag:s14], $0x2800  }
0x90: {  	[sflag:s14] =	ssyncset.done $0x0  }
0x91: {  	s30 =	sadd.s32 $0x2800, s1;
	[sflag:s14] =	ssyncadd.s32 $0xFFFFD800  }
0x92: {  	[tilespmem:s4], [sflag:$0x1] =	stream.linear.gather [hbm4b:s30+s4], $0x2800, $0x38;
	[tilespmem:$0x1DA80] =	vst v63  }
0x93: {  	s29 =	rddreg [dreg:$0x1f]  }
0x94: {  	[tilespmem:s2], [sflag:$0x1] =	stream.linear.gather [hbm4b:s29+s4], $0x80, $0x38;
	[tilespmem:$0x1DA80] =	vst v63  }
0x95: {  	_ =	swait.ge [sflag:s15], $0x2800  }
0x96: {  	[sflag:s15] =	ssyncset.done $0x0  }
0x97: {  	[sflag:s15] =	ssyncadd.s32 $0xFFFFD800  }
0x98: {  	_ =	swait.ge [sflag:s15], $0x80  }
0x99: {  	[sflag:s15] =	ssyncset.done $0x0  }
0x9a: {  	[sflag:s15] =	ssyncadd.s32 $0xFFFFFF80  }
0x9b: {  	[spmem:s3] =	stream.indirect.scatter.add.f32 [tilespmem:s11], [sflag:$0x8], $0x80, s12, s7, $0xb8;
	[tilespmem:$0x1DA80] =	vst v63  }
0x9c: {  	_ =	swait.ge [sflag:s16], $0x2800  }
0x9d: {  	s31 =	smov.u32 s28;
	s23 =	simm.s32 $0x1400;
	[sflag:s16] =	ssyncset.done $0x0  }
0x9e: {  	s24 =	sadd.s32 $0x40, s28;
	s1 =	sadd.s32 $0x2D00, s1;
	[sflag:s16] =	ssyncadd.s32 $0xFFFFD800  }
0x9f: {  	[tilespmem:s0], [sflag:$0x2] =	stream.linear.gather [hbm4b:s1+s4], $0x2800, $0x38;
	[tilespmem:$0x1DA80] =	vst v63  }
0xa0: {  	s26 =	sadd.s32 $0x40, s26;
	s25 =	sadd.s32 $0x40, s25;
	s1 =	sadd.s32 $0x40, s29  }
.LBB2_2:
0xa1: {  	[tilespmem:s5], [sflag:$0x2] =	stream.linear.gather [hbm4b:s31+s4], $0x80, $0x38;
	[tilespmem:$0x1DA80] =	vst v63  }
0xa2: {  	_ =	swait.ge [sflag:s6], $0x2800  }
0xa3: {  	[sflag:s6] =	ssyncset.done $0x0  }
0xa4: {  	[sflag:s6] =	ssyncadd.s32 $0xFFFFD800  }
0xa5: {  	_ =	swait.ge [sflag:s6], $0x80  }
0xa6: {  	[sflag:s6] =	ssyncset.done $0x0  }
0xa7: {  	[sflag:s6] =	ssyncadd.s32 $0xFFFFFF80  }
0xa8: {  	[spmem:s3] =	stream.indirect.scatter.add.f32 [tilespmem:s4], [sflag:$0x5], $0x80, s2, s7, $0xb8;
	[tilespmem:$0x1DA80] =	vst v63  }
0xa9: {  	_ =	swait.ge [sflag:s17], $0x2800  }
0xaa: {  	s29 =	smov.u32 s23;
	s30 =	rddreg [dreg:$0x6]  }
0xab: {  	[sflag:s17] =	ssyncset.done $0x0;
	s29 =	sadd.s32 s29, s30  }
0xac: {  	[sflag:s17] =	ssyncadd.s32 $0xFFFFD800;
	s30 =	sadd.s32 $0x1E00, s29  }
0xad: {  	[tilespmem:s8], [sflag:$0x3] =	stream.linear.gather [hbm4b:s30+s4], $0x2800, $0x38;
	[tilespmem:$0x1DA80] =	vst v63  }
0xae: {  	_ = 	snop  }
0xaf: {  	[tilespmem:s9], [sflag:$0x3] =	stream.linear.gather [hbm4b:s26+s4], $0x80, $0x38;
	[tilespmem:$0x1DA80] =	vst v63  }
0xb0: {  	_ =	swait.ge [sflag:s10], $0x2800  }
0xb1: {  	[sflag:s10] =	ssyncset.done $0x0  }
0xb2: {  	[sflag:s10] =	ssyncadd.s32 $0xFFFFD800  }
0xb3: {  	_ =	swait.ge [sflag:s10], $0x80  }
0xb4: {  	[sflag:s10] =	ssyncset.done $0x0  }
0xb5: {  	[sflag:s10] =	ssyncadd.s32 $0xFFFFFF80  }
0xb6: {  	[spmem:s3] =	stream.indirect.scatter.add.f32 [tilespmem:s0], [sflag:$0x6], $0x80, s5, s7, $0xb8;
	[tilespmem:$0x1DA80] =	vst v63  }
0xb7: {  	_ =	swait.ge [sflag:s18], $0x2800  }
0xb8: {  	[sflag:s18] =	ssyncset.done $0x0  }
0xb9: {  	s30 =	sadd.s32 $0x2300, s29;
	[sflag:s18] =	ssyncadd.s32 $0xFFFFD800  }
0xba: {  	[tilespmem:s11], [sflag:$0x4] =	stream.linear.gather [hbm4b:s30+s4], $0x2800, $0x38;
	[tilespmem:$0x1DA80] =	vst v63  }
0xbb: {  	_ = 	snop  }
0xbc: {  	[tilespmem:s12], [sflag:$0x4] =	stream.linear.gather [hbm4b:s25+s4], $0x80, $0x38;
	[tilespmem:$0x1DA80] =	vst v63  }
0xbd: {  	_ =	swait.ge [sflag:s13], $0x2800  }
0xbe: {  	[sflag:s13] =	ssyncset.done $0x0  }
0xbf: {  	[sflag:s13] =	ssyncadd.s32 $0xFFFFD800  }
0xc0: {  	_ =	swait.ge [sflag:s13], $0x80  }
0xc1: {  	[sflag:s13] =	ssyncset.done $0x0  }
0xc2: {  	[sflag:s13] =	ssyncadd.s32 $0xFFFFFF80  }
0xc3: {  	[spmem:s3] =	stream.indirect.scatter.add.f32 [tilespmem:s8], [sflag:$0x7], $0x80, s9, s7, $0xb8;
	[tilespmem:$0x1DA80] =	vst v63  }
0xc4: {  	_ =	swait.ge [sflag:s14], $0x2800  }
0xc5: {  	[sflag:s14] =	ssyncset.done $0x0  }
0xc6: {  	s30 =	sadd.s32 $0x2800, s29;
	[sflag:s14] =	ssyncadd.s32 $0xFFFFD800  }
0xc7: {  	[tilespmem:s4], [sflag:$0x1] =	stream.linear.gather [hbm4b:s30+s4], $0x2800, $0x38;
	[tilespmem:$0x1DA80] =	vst v63  }
0xc8: {  	_ = 	snop  }
0xc9: {  	[tilespmem:s2], [sflag:$0x1] =	stream.linear.gather [hbm4b:s1+s4], $0x80, $0x38;
	[tilespmem:$0x1DA80] =	vst v63  }
0xca: {  	_ =	swait.ge [sflag:s15], $0x2800  }
0xcb: {  	[sflag:s15] =	ssyncset.done $0x0  }
0xcc: {  	[sflag:s15] =	ssyncadd.s32 $0xFFFFD800  }
0xcd: {  	_ =	swait.ge [sflag:s15], $0x80  }
0xce: {  	[sflag:s15] =	ssyncset.done $0x0  }
0xcf: {  	p1 =	sne.s32 s23, $0x23000;
	[sflag:s15] =	ssyncadd.s32 $0xFFFFFF80  }
0xd0: {  	[spmem:s3] =	stream.indirect.scatter.add.f32 [tilespmem:s11], [sflag:$0x8], $0x80, s12, s7, $0xb8;
	[tilespmem:$0x1DA80] =	vst v63  }
.Ltmp0:
0xd1: {  	s31 =	smov.u32 s24;
	(pc) =	sbr.rel @p1 .LBB2_2-.Ltmp0, $4  }
0xd2: {  	s23 =	sadd.s32 $0x1400, s23;
	s24 =	sadd.s32 $0x40, s24;
	_ =	swait.ge [sflag:s16], $0x2800  }
0xd3: {  	s26 =	sadd.s32 $0x40, s26;
	s29 =	sadd.s32 $0x2D00, s29;
	[sflag:s16] =	ssyncset.done $0x0  }
0xd4: {  	s25 =	sadd.s32 $0x40, s25;
	s1 =	sadd.s32 $0x40, s1;
	[sflag:s16] =	ssyncadd.s32 $0xFFFFD800  }
0xd5: {  	[tilespmem:s0], [sflag:$0x2] =	stream.linear.gather [hbm4b:s29+s4], $0x2800, $0x38;
	[tilespmem:$0x1DA80] =	vst v63  }
0xd6: {  	[tilespmem:s5], [sflag:$0x2] =	stream.linear.gather [hbm4b:s31+s4], $0x80, $0x38;
	[tilespmem:$0x1DA80] =	vst v63  }
0xd7: {  	_ =	swait.ge [sflag:s6], $0x2800  }
0xd8: {  	[sflag:s6] =	ssyncset.done $0x0  }
0xd9: {  	[sflag:s6] =	ssyncadd.s32 $0xFFFFD800  }
0xda: {  	_ =	swait.ge [sflag:s6], $0x80  }
0xdb: {  	[sflag:s6] =	ssyncset.done $0x0  }
0xdc: {  	[sflag:s6] =	ssyncadd.s32 $0xFFFFFF80  }
0xdd: {  	[spmem:s3] =	stream.indirect.scatter.add.f32 [tilespmem:s4], [sflag:$0x5], $0x80, s2, s7, $0xb8;
	[tilespmem:$0x1DA80] =	vst v63  }
0xde: {  	_ =	swait.ge [sflag:s17], $0x2800  }
0xdf: {  	[sflag:s17] =	ssyncset.done $0x0  }
0xe0: {  	s1 =	rddreg [dreg:$0x15];
	[sflag:s17] =	ssyncadd.s32 $0xFFFFD800  }
0xe1: {  	[tilespmem:s8], [sflag:$0x3] =	stream.linear.gather [hbm4b:s1+s4], $0x2800, $0x38;
	[tilespmem:$0x1DA80] =	vst v63  }
0xe2: {  	s24 =	rddreg [dreg:$0x18]  }
0xe3: {  	[tilespmem:s9], [sflag:$0x3] =	stream.linear.gather [hbm4b:s24+s4], $0x80, $0x38;
	[tilespmem:$0x1DA80] =	vst v63  }
0xe4: {  	_ =	swait.ge [sflag:s10], $0x2800  }
0xe5: {  	[sflag:s10] =	ssyncset.done $0x0  }
0xe6: {  	[sflag:s10] =	ssyncadd.s32 $0xFFFFD800  }
0xe7: {  	_ =	swait.ge [sflag:s10], $0x80  }
0xe8: {  	[sflag:s10] =	ssyncset.done $0x0  }
0xe9: {  	[sflag:s10] =	ssyncadd.s32 $0xFFFFFF80  }
0xea: {  	[spmem:s3] =	stream.indirect.scatter.add.f32 [tilespmem:s0], [sflag:$0x6], $0x80, s5, s7, $0xb8;
	[tilespmem:$0x1DA80] =	vst v63  }
0xeb: {  	_ =	swait.ge [sflag:s18], $0x2800  }
0xec: {  	[sflag:s18] =	ssyncset.done $0x0  }
0xed: {  	s25 =	rddreg [dreg:$0x16];
	[sflag:s18] =	ssyncadd.s32 $0xFFFFD800  }
0xee: {  	[tilespmem:s11], [sflag:$0x4] =	stream.linear.gather [hbm4b:s25+s4], $0x2800, $0x38;
	[tilespmem:$0x1DA80] =	vst v63  }
0xef: {  	s26 =	rddreg [dreg:$0x19]  }
0xf0: {  	[tilespmem:s12], [sflag:$0x4] =	stream.linear.gather [hbm4b:s26+s4], $0x80, $0x38;
	[tilespmem:$0x1DA80] =	vst v63  }
0xf1: {  	_ =	swait.ge [sflag:s13], $0x2800  }
0xf2: {  	[sflag:s13] =	ssyncset.done $0x0  }
0xf3: {  	[sflag:s13] =	ssyncadd.s32 $0xFFFFD800  }
0xf4: {  	_ =	swait.ge [sflag:s13], $0x80  }
0xf5: {  	[sflag:s13] =	ssyncset.done $0x0  }
0xf6: {  	[sflag:s13] =	ssyncadd.s32 $0xFFFFFF80  }
0xf7: {  	[spmem:s3] =	stream.indirect.scatter.add.f32 [tilespmem:s8], [sflag:$0x7], $0x80, s9, s7, $0xb8;
	[tilespmem:$0x1DA80] =	vst v63  }
0xf8: {  	_ =	swait.ge [sflag:s14], $0x2800  }
0xf9: {  	[sflag:s14] =	ssyncset.done $0x0  }
0xfa: {  	s29 =	rddreg [dreg:$0x17];
	[sflag:s14] =	ssyncadd.s32 $0xFFFFD800  }
0xfb: {  	[tilespmem:s4], [sflag:$0x1] =	stream.linear.gather [hbm4b:s29+s4], $0x2800, $0x38;
	[tilespmem:$0x1DA80] =	vst v63  }
0xfc: {  	s30 =	rddreg [dreg:$0x1a]  }
0xfd: {  	[tilespmem:s2], [sflag:$0x1] =	stream.linear.gather [hbm4b:s30+s4], $0x80, $0x38;
	[tilespmem:$0x1DA80] =	vst v63  }
0xfe: {  	_ =	swait.ge [sflag:s15], $0x2800  }
0xff: {  	[sflag:s15] =	ssyncset.done $0x0  }
0x100: {  	[sflag:s15] =	ssyncadd.s32 $0xFFFFD800  }
0x101: {  	_ =	swait.ge [sflag:s15], $0x80  }
0x102: {  	[sflag:s15] =	ssyncset.done $0x0  }
0x103: {  	[sflag:s15] =	ssyncadd.s32 $0xFFFFFF80  }
0x104: {  	[spmem:s3] =	stream.indirect.scatter.add.f32 [tilespmem:s11], [sflag:$0x8], $0x80, s12, s7, $0xb8;
	[tilespmem:$0x1DA80] =	vst v63  }
0x105: {  	_ =	swait.ge [sflag:s16], $0x2800  }
0x106: {  	[sflag:s16] =	ssyncset.done $0x0  }
0x107: {  	[sflag:s16] =	ssyncadd.s32 $0xFFFFD800  }
0x108: {  	_ =	swait.ge [sflag:s6], $0x2800  }
0x109: {  	[sflag:s6] =	ssyncset.done $0x0  }
0x10a: {  	[sflag:s6] =	ssyncadd.s32 $0xFFFFD800  }
0x10b: {  	_ =	swait.ge [sflag:s6], $0x80  }
0x10c: {  	[sflag:s6] =	ssyncset.done $0x0  }
0x10d: {  	[sflag:s6] =	ssyncadd.s32 $0xFFFFFF80  }
0x10e: {  	[spmem:s3] =	stream.indirect.scatter.add.f32 [tilespmem:s4], [sflag:$0x5], $0x80, s2, s7, $0xb8;
	[tilespmem:$0x1DA80] =	vst v63  }
0x10f: {  	_ =	swait.ge [sflag:s17], $0x2800  }
0x110: {  	[sflag:s17] =	ssyncset.done $0x0  }
0x111: {  	[sflag:s17] =	ssyncadd.s32 $0xFFFFD800  }
0x112: {  	_ =	swait.ge [sflag:s18], $0x2800  }
0x113: {  	[sflag:s18] =	ssyncset.done $0x0  }
0x114: {  	[sflag:s18] =	ssyncadd.s32 $0xFFFFD800  }
0x115: {  	_ =	swait.ge [sflag:s14], $0x2800  }
0x116: {  	[sflag:s14] =	ssyncset.done $0x0  }
0x117: {  	[sflag:s14] =	ssyncadd.s32 $0xFFFFD800  }
0x118: {  	[bflag:$0x0] =	sbarrier.arrive $0xFFFF  }
0x119: {  	s1 =	simm.s32 @p0 $0x1FC9;
	s23 =	rddreg [dreg:$0x1b]  }
0x11a: {  	[hbm:s23], [sflag:s1] =	dma.local @p0 [spmem:s20], $0x2800  }
0x11b: {  	s1 =	simm.s32 @p0 $0x9  }
0x11c: {  	_ =	swait.ge @p0 [sflag:s1], $0x2800  }
0x11d: {  	[sflag:s1] =	ssyncset.done @p0 $0x0  }
0x11e: {  	[sflag:s1] =	ssyncadd.s32 @p0 $0xFFFFD800;
	s1 =	rddreg [dreg:$0x11]  }
0x11f: {  	[hbm:s1], [sflag:s21] =	dma.local @!p0 [spmem:s22], $0x2700  }
0x120: {  	s1 =	simm.s32 @!p0 $0x9  }
0x121: {  	_ =	swait.ge @!p0 [sflag:s1], $0x2700  }
0x122: {  	s19 =	sadd.s32 $0x1, s19;
	s31 =	rddreg [dreg:$0x1c]  }
0x123: {  	p1 =	sne.s32 s19, s31  }
.Ltmp1:
0x124: {  	_ = 	snop;
	(pc) =	sbr.rel @p1 .LBB2_1-.Ltmp1, $3  }
0x125: {  	_ =	sdelay $0x1  }
0x126: {  	[sflag:s1] =	ssyncset.done @!p0 $0x0  }
0x127: {  	[sflag:s1] =	ssyncadd.s32 @!p0 $0xFFFFD900  }
0x128: {  	_ =	sfence.sel $0x180000  }
0x129: {  	[bflag:$0x0] =	sbarrier.arrive $0xFFFF  }
0x12a: {  	_ =	strace $0x90000047  }
0x12b: {  	s0 =	stileid.u32;
	[bflag:$0x2] =	sbarrier.arrive $0xFFFF  }
0x12c: {  	p0 =	sne.s32 s0, $0x0;
	s0 =	rddreg [dreg:$0x5]  }
0x12d: {  	s0 =	sadd.s32 @!p0 $0x100000, s0  }
0x12e: {  	[sflag:s0] =	ssyncadd.tile.s32 @!p0 $0x1;
	_ =	shalt  }
.Lfunc_end2:
_tile_overlayer_lowered:
.L_overlay_start_2:
0x12f: {  	(tag) =	ssettag $0x2  }
0x130: {  	s0 =	rddreg [dreg:$0x0];
	s2 =	stileid.u32  }
0x131: {  	s1 =	rddreg [dreg:$0x1];
	p0 =	sne.s32 s2, $0x0  }
0x132: {  	s3 =	rddreg [dreg:$0x2];
	[bflag:$0x3] =	sbarrier.arrive $0xFFFF;
	s2 =	simm.s32 @!p0 $0x1C09  }
0x133: {  	[timem:s3], [sflag:s2] =	dma.local @!p0 [hbm:s0], s1  }
0x134: {  	s0 =	simm.s32 @!p0 $0x9  }
0x135: {  	_ =	swait.ge @!p0 [sflag:s0], s1  }
0x136: {  	s1 =	ssub.s32 @!p0 $0x0, s1;
	[sflag:s0] =	ssyncset.done @!p0 $0x0  }
0x137: {  	[sflag:s0] =	ssyncadd.s32 @!p0 s1  }
0x138: {  	[bflag:$0x3] =	sbarrier.arrive $0xFFFF  }
0x139: {  	_ =	shalt  }

</sc_bundles>
